<compile_context>
chip_gen: v7x
topology: tpu7x:2x2x1
jax: 0.10.2.dev20260603
libtpu: 0.0.44.dev20260713+nightly
codegen_flags: <defaults>
</compile_context>

<pallas_src>
import functools

import jax
import jax.numpy as jnp
from jax import lax
from jax.experimental import pallas as pl
from jax.experimental.pallas import tpu as pltpu
from jax.experimental.pallas import tpu_sc as plsc

N = 10000
E = 320000
D = 128

NC = 2
NS = 16
NW = NC * NS
EW = E // NW
CB = 64
FULL = EW // CB
TAIL = EW - FULL * CB
RPT = 624
RPT_LAST = N - RPT * (NS - 1)

NBUF = 4
STEPS = FULL // NBUF - 1


@functools.cache
def _make_sc_aggregate():
    mesh = plsc.VectorSubcoreMesh(
        core_axis_name="c", subcore_axis_name="s",
        num_cores=NC, num_subcores=NS,
    )

    @functools.partial(
        pl.kernel,
        out_type=jax.ShapeDtypeStruct((NC, N, D), jnp.float32),
        mesh=mesh,
        scratch_types=[
            pltpu.VMEM((FULL * CB,), jnp.int32),
            [pltpu.VMEM((CB,), jnp.int32) for _ in range(NBUF)],
            [pltpu.VMEM((CB, D), jnp.float32) for _ in range(NBUF)],
            [pltpu.SemaphoreType.DMA for _ in range(NBUF)],
            [pltpu.SemaphoreType.DMA for _ in range(NBUF)],
        ] + ([
            pltpu.VMEM((TAIL,), jnp.int32),
            pltpu.VMEM((TAIL,), jnp.int32),
            pltpu.VMEM((TAIL, D), jnp.float32),
            pltpu.SemaphoreType.DMA,
        ] if TAIL else []) + [
            pltpu.VMEM_SHARED((N, D), jnp.float32),
        ],
    )
    def _sc_aggregate(x_hbm, edge_hbm, zeros_hbm, out_hbm, src_v, dst_v,
                      rows, gsem, isem, *rest):
        if TAIL:
            src_t, dst_t, rows_t, sem, acc_sh = rest
        else:
            acc_sh, = rest
        cid = lax.axis_index("c")
        sid = lax.axis_index("s")
        wid = cid * NS + sid
        ebase = wid * EW

        pltpu.sync_copy(edge_hbm.at[pl.ds(ebase, FULL * CB)], src_v)
        if TAIL:
            pltpu.sync_copy(edge_hbm.at[pl.ds(ebase + FULL * CB, TAIL)],
                            src_t)
            pltpu.sync_copy(edge_hbm.at[pl.ds(E + ebase + FULL * CB, TAIL)],
                            dst_t)

        def issue(b, i):
            pltpu.async_copy(edge_hbm.at[pl.ds(E + ebase + i * CB, CB)],
                             dst_v[b], isem[b])
            pltpu.async_copy(x_hbm.at[src_v.at[pl.ds(i * CB, CB)]],
                             rows[b], gsem[b])

        def consume(b, i):
            pltpu.make_async_copy(edge_hbm.at[pl.ds(E + ebase + i * CB, CB)],
                                  dst_v[b], isem[b]).wait()
            pltpu.make_async_copy(x_hbm.at[src_v.at[pl.ds(i * CB, CB)]],
                                  rows[b], gsem[b]).wait()
            pltpu.sync_copy(rows[b], acc_sh.at[dst_v[b]], add=True)

        for b in range(NBUF):
            issue(b, b)
        if TAIL:
            pltpu.async_copy(x_hbm.at[src_t], rows_t, sem)

        @pl.when(sid < NS - 1)
        def _():
            pltpu.sync_copy(zeros_hbm.at[pl.ds(0, RPT)],
                            acc_sh.at[pl.ds(sid * RPT, RPT)])

        @pl.when(sid == NS - 1)
        def _():
            pltpu.sync_copy(zeros_hbm,
                            acc_sh.at[pl.ds((NS - 1) * RPT, RPT_LAST)])

        plsc.subcore_barrier()

        @pl.loop(0, STEPS)
        def _(j):
            i0 = j * NBUF
            for b in range(NBUF):
                consume(b, i0 + b)
                issue(b, i0 + NBUF + b)

        for k in range(STEPS * NBUF, FULL):
            b = k % NBUF
            consume(b, k)
            if k + NBUF < FULL:
                issue(b, k + NBUF)

        if TAIL:
            pltpu.make_async_copy(x_hbm.at[src_t], rows_t, sem).wait()
            pltpu.sync_copy(rows_t, acc_sh.at[dst_t], add=True)

        plsc.subcore_barrier()

        @pl.when(sid < NS - 1)
        def _():
            pltpu.sync_copy(acc_sh.at[pl.ds(sid * RPT, RPT)],
                            out_hbm.at[cid, pl.ds(sid * RPT, RPT)])

        @pl.when(sid == NS - 1)
        def _():
            pltpu.sync_copy(acc_sh.at[pl.ds((NS - 1) * RPT, RPT_LAST)],
                            out_hbm.at[cid, pl.ds((NS - 1) * RPT, RPT_LAST)])

    return _sc_aggregate


def _ci_dense_compute(p0, p1, xr, wlt, bl, wrt, br, g, be):
    agg = p0 + p1
    out = jnp.dot(agg, wlt, preferred_element_type=jnp.float32) + bl
    scale = jnp.dot(xr, wrt, preferred_element_type=jnp.float32) + br
    out = out * scale
    n = jnp.sqrt(jnp.sum(out * out, axis=-1, keepdims=True))
    out = out / jnp.maximum(n, 1e-12)
    out = jnp.maximum(out, 0.0)
    m = jnp.mean(out, axis=0, keepdims=True)
    v = jnp.mean((out - m) * (out - m), axis=0, keepdims=True)
    return (out - m) * jax.lax.rsqrt(v + 1e-5) * g + be


def _ci_dense_body(p0_ref, p1_ref, xr_ref, wlt_ref, bl_ref, wrt_ref, br_ref,
                   g_ref, be_ref, o_ref):
    o_ref[...] = _ci_dense_compute(
        p0_ref[...], p1_ref[...], xr_ref[...], wlt_ref[...], bl_ref[...],
        wrt_ref[...], br_ref[...], g_ref[...], be_ref[...])


def _dense2_head_body(p0_ref, p1_ref, xr_ref, wlt_ref, bl_ref, wrt_ref,
                      br_ref, g_ref, be_ref, w2t_ref, b2_ref, g3_ref, be3_ref,
                      w3t_ref, b3_ref, o_ref):
    x = _ci_dense_compute(
        p0_ref[...], p1_ref[...], xr_ref[...], wlt_ref[...], bl_ref[...],
        wrt_ref[...], br_ref[...], g_ref[...], be_ref[...])
    x = jnp.dot(x, w2t_ref[...], preferred_element_type=jnp.float32)
    x = jnp.maximum(x + b2_ref[...], 0.0)
    m = jnp.mean(x, axis=0, keepdims=True)
    v = jnp.mean((x - m) * (x - m), axis=0, keepdims=True)
    x = (x - m) * jax.lax.rsqrt(v + 1e-5) * g3_ref[...] + be3_ref[...]
    x = jnp.dot(x, w3t_ref[...], preferred_element_type=jnp.float32)
    x = jnp.maximum(x + b3_ref[...], 0.0)
    mx = jnp.max(x, axis=0, keepdims=True)
    ex = jnp.exp(x - mx)
    o_ref[...] = ex / jnp.sum(ex, axis=0, keepdims=True)


def _ci_dense(p, xr, Wl, bl, Wr, br, g, be):
    return pl.pallas_call(
        _ci_dense_body,
        out_shape=jax.ShapeDtypeStruct((N, Wl.shape[0]), jnp.float32),
    )(p[0], p[1], xr.reshape(1, -1), Wl.T, bl.reshape(1, -1), Wr.T,
      br.reshape(1, -1), g.reshape(1, -1), be.reshape(1, -1))


def kernel(node_feature, edge_index, global_x, Wl1, bl1, Wr1, br1, g1, be1,
           Wl2, bl2, Wr2, br2, g2, be2, W2, b2, g3, be3, W3, b3):
    zeros = jnp.zeros((RPT_LAST, D), jnp.float32)

    sc_aggregate = _make_sc_aggregate()
    eflat = edge_index.reshape(-1)
    p1 = sc_aggregate(node_feature, eflat, zeros)
    x1 = _ci_dense(p1, node_feature[1], Wl1, bl1, Wr1, br1, g1, be1)

    p2 = sc_aggregate(x1, eflat, zeros)

    return pl.pallas_call(
        _dense2_head_body,
        out_shape=jax.ShapeDtypeStruct((N, 1), jnp.float32),
    )(p2[0], p2[1], x1[1].reshape(1, -1), Wl2.T, bl2.reshape(1, -1), Wr2.T,
      br2.reshape(1, -1), g2.reshape(1, -1), be2.reshape(1, -1), W2.T,
      b2.reshape(1, -1), g3.reshape(1, -1), be3.reshape(1, -1), W3.T,
      b3.reshape(1, -1))

# --- scband reference (transcript-rebuilt; emitter-appended) ---
"""Pipeline reference for scband-cigraph-nn-22265110462464 (READ-ONLY COPY).

The authoritative reference and input builder live on the scoring server;
editing this copy changes nothing except your own understanding.
"""

import jax, jax.numpy as jnp
import numpy as np

N = 10000
E = 320000
D = 128
H1 = 128
H2 = 128
F2 = 64


def _ciconv(x, src, dst, Wl, bl, Wr, br):
    # MessagePassing aggr='add': scatter-add x[src] into dst rows
    agg = jnp.zeros((x.shape[0], x.shape[1]), x.dtype).at[dst].add(x[src])
    out = agg @ Wl.T + bl
    # faithful to original: x_r = x[1] indexes row 1 of the node feature tensor
    x_r = x[1]
    out = out * (x_r @ Wr.T + br)
    n = jnp.linalg.norm(out, ord=2, axis=-1, keepdims=True)
    return out / jnp.maximum(n, 1e-12)


def _bn(x, g, b):
    # BatchNorm1d in training mode (biased variance, eps=1e-5)
    m = jnp.mean(x, axis=0)
    v = jnp.var(x, axis=0)
    return (x - m) / jnp.sqrt(v + 1e-5) * g + b


def setup_inputs(seed: int = 0):
    key = jax.random.key(seed)
    ks = jax.random.split(key, 24)
    inp = {}
    inp["node_feature"] = jax.random.normal(ks[0], (N, D), jnp.float32)
    inp["edge_index"] = jax.random.randint(ks[1], (2, E), 0, N, jnp.int32)
    inp["global_x"] = jax.random.normal(ks[2], (16,), jnp.float32)
    inp["Wl1"] = jax.random.normal(ks[3], (H1, D), jnp.float32) * 0.05
    inp["bl1"] = jax.random.normal(ks[4], (H1,), jnp.float32) * 0.05
    inp["Wr1"] = jax.random.normal(ks[5], (H1, D), jnp.float32) * 0.05
    inp["br1"] = jax.random.normal(ks[6], (H1,), jnp.float32) * 0.05
    inp["g1"] = jnp.ones((H1,), jnp.float32)
    inp["be1"] = jnp.zeros((H1,), jnp.float32)
    inp["Wl2"] = jax.random.normal(ks[7], (H2, H1), jnp.float32) * 0.05
    inp["bl2"] = jax.random.normal(ks[8], (H2,), jnp.float32) * 0.05
    inp["Wr2"] = jax.random.normal(ks[9], (H2, H1), jnp.float32) * 0.05
    inp["br2"] = jax.random.normal(ks[10], (H2,), jnp.float32) * 0.05
    inp["g2"] = jnp.ones((H2,), jnp.float32)
    inp["be2"] = jnp.zeros((H2,), jnp.float32)
    inp["W2"] = jax.random.normal(ks[11], (F2, H2), jnp.float32) * 0.05
    inp["b2"] = jax.random.normal(ks[12], (F2,), jnp.float32) * 0.05
    inp["g3"] = jnp.ones((F2,), jnp.float32)
    inp["be3"] = jnp.zeros((F2,), jnp.float32)
    inp["W3"] = jax.random.normal(ks[13], (1, F2), jnp.float32) * 0.05
    inp["b3"] = jax.random.normal(ks[14], (1,), jnp.float32) * 0.05
    return inp


def reference(node_feature, edge_index, global_x, Wl1, bl1, Wr1, br1, g1, be1, Wl2, bl2, Wr2, br2, g2, be2, W2, b2, g3, be3, W3, b3):
    src = edge_index[0]
    dst = edge_index[1]
    x = jax.nn.relu(_ciconv(node_feature, src, dst, Wl1, bl1, Wr1, br1))
    x = _bn(x, g1, be1)
    x = jax.nn.relu(_ciconv(x, src, dst, Wl2, bl2, Wr2, br2))
    x = _bn(x, g2, be2)
    x = jax.nn.relu(x @ W2.T + b2)
    x = _bn(x, g3, be3)
    x = jax.nn.relu(x @ W3.T + b3)
    return jax.nn.softmax(x, axis=0)

if __name__ == "__main__":
    import jax
    _d = setup_inputs()
    print(jax.jit(kernel)(*tuple(_d.values())))

</pallas_src>

<mosaic_0001>
#map = affine_map<(d0, d1) -> (0, 0)>
#map1 = affine_map<(d0, d1) -> (0)>
#map2 = affine_map<(d0, d1) -> (0, 0, 0)>
module attributes {stable_mosaic.version = 14 : i64} {
  func.func @_sc_aggregate(%arg0: i32, %arg1: i32, %arg2: memref<10000x128xf32, #tpu.memory_space<hbm>>, %arg3: memref<640000xi32, #tpu.memory_space<hbm>>, %arg4: memref<640x128xf32, #tpu.memory_space<hbm>>, %arg5: memref<2x10000x128xf32, #tpu.memory_space<hbm>>, %arg6: memref<9984xi32, #tpu.memory_space<vmem>>, %arg7: memref<64xi32, #tpu.memory_space<vmem>>, %arg8: memref<64xi32, #tpu.memory_space<vmem>>, %arg9: memref<64xi32, #tpu.memory_space<vmem>>, %arg10: memref<64xi32, #tpu.memory_space<vmem>>, %arg11: memref<64x128xf32, #tpu.memory_space<vmem>>, %arg12: memref<64x128xf32, #tpu.memory_space<vmem>>, %arg13: memref<64x128xf32, #tpu.memory_space<vmem>>, %arg14: memref<64x128xf32, #tpu.memory_space<vmem>>, %arg15: memref<!tpu.dma_semaphore, #tpu.memory_space<semaphore_mem>>, %arg16: memref<!tpu.dma_semaphore, #tpu.memory_space<semaphore_mem>>, %arg17: memref<!tpu.dma_semaphore, #tpu.memory_space<semaphore_mem>>, %arg18: memref<!tpu.dma_semaphore, #tpu.memory_space<semaphore_mem>>, %arg19: memref<!tpu.dma_semaphore, #tpu.memory_space<semaphore_mem>>, %arg20: memref<!tpu.dma_semaphore, #tpu.memory_space<semaphore_mem>>, %arg21: memref<!tpu.dma_semaphore, #tpu.memory_space<semaphore_mem>>, %arg22: memref<!tpu.dma_semaphore, #tpu.memory_space<semaphore_mem>>, %arg23: memref<16xi32, #tpu.memory_space<vmem>>, %arg24: memref<16xi32, #tpu.memory_space<vmem>>, %arg25: memref<16x128xf32, #tpu.memory_space<vmem>>, %arg26: memref<!tpu.dma_semaphore, #tpu.memory_space<semaphore_mem>>, %arg27: memref<10000x128xf32, #tpu.memory_space<vmem_shared>>) attributes {dimension_semantics = [#tpu.dimension_semantics<core_parallel>, #tpu.dimension_semantics<subcore_parallel>], iteration_bounds = array<i64: 2, 16>, scalar_prefetch = 0 : i64, scratch_operands = 22 : i64, tpu.core_type = #tpu.core_type<sc_vector_subcore>, window_params = [{transform_indices = #map}, {transform_indices = #map1}, {transform_indices = #map}, {transform_indices = #map2}]} {
    %mul3A = arith.constant 16 : i32
    %mul3A_0 = arith.muli %arg0, %mul3A : i32
    %add3A = arith.addi %mul3A_0, %arg1 : i32
    %mul3A_1 = arith.constant 10000 : i32
    %mul3A_2 = arith.muli %add3A, %mul3A_1 : i32
    "tpu.region"() ({
      %run_scoped3A = tpu.sem_alloc : memref<!tpu.dma_semaphore, #tpu.memory_space<semaphore_mem>>
      %dma_start3A_122 = tpu.memref_slice %arg3[%mul3A_2] : memref<640000xi32, #tpu.memory_space<hbm>> -> memref<9984xi32, #tpu.memory_space<hbm>>
      %dma_start3A_123 = tpu.memref_slice %arg3[%mul3A_2] : memref<640000xi32, #tpu.memory_space<hbm>> -> memref<9984xi32, #tpu.memory_space<hbm>>
      tpu.enqueue_dma source(%dma_start3A_123 : memref<9984xi32, #tpu.memory_space<hbm>>) target(%arg6 : memref<9984xi32, #tpu.memory_space<vmem>>) target_semaphore(%run_scoped3A : memref<!tpu.dma_semaphore, #tpu.memory_space<semaphore_mem>>)
      %dma_wait3A_124 = tpu.memref_slice %arg3[%mul3A_2] : memref<640000xi32, #tpu.memory_space<hbm>> -> memref<9984xi32, #tpu.memory_space<hbm>>
      %dma_wait3A_125 = tpu.memref_slice %arg3[%mul3A_2] : memref<640000xi32, #tpu.memory_space<hbm>> -> memref<9984xi32, #tpu.memory_space<hbm>>
      tpu.wait_dma2 semaphore(%run_scoped3A : memref<!tpu.dma_semaphore, #tpu.memory_space<semaphore_mem>>) src(%dma_wait3A_125 : memref<9984xi32, #tpu.memory_space<hbm>>) dst(%arg6 : memref<9984xi32, #tpu.memory_space<vmem>>)
      tpu.yield
    }) : () -> ()
    %add3A_3 = arith.constant 9984 : i32
    %add3A_4 = arith.addi %mul3A_2, %add3A_3 : i32
    "tpu.region"() ({
      %run_scoped3A = tpu.sem_alloc : memref<!tpu.dma_semaphore, #tpu.memory_space<semaphore_mem>>
      %dma_start3A_122 = tpu.memref_slice %arg3[%add3A_4] : memref<640000xi32, #tpu.memory_space<hbm>> -> memref<16xi32, #tpu.memory_space<hbm>>
      %dma_start3A_123 = tpu.memref_slice %arg3[%add3A_4] : memref<640000xi32, #tpu.memory_space<hbm>> -> memref<16xi32, #tpu.memory_space<hbm>>
      tpu.enqueue_dma source(%dma_start3A_123 : memref<16xi32, #tpu.memory_space<hbm>>) target(%arg23 : memref<16xi32, #tpu.memory_space<vmem>>) target_semaphore(%run_scoped3A : memref<!tpu.dma_semaphore, #tpu.memory_space<semaphore_mem>>)
      %dma_wait3A_124 = tpu.memref_slice %arg3[%add3A_4] : memref<640000xi32, #tpu.memory_space<hbm>> -> memref<16xi32, #tpu.memory_space<hbm>>
      %dma_wait3A_125 = tpu.memref_slice %arg3[%add3A_4] : memref<640000xi32, #tpu.memory_space<hbm>> -> memref<16xi32, #tpu.memory_space<hbm>>
      tpu.wait_dma2 semaphore(%run_scoped3A : memref<!tpu.dma_semaphore, #tpu.memory_space<semaphore_mem>>) src(%dma_wait3A_125 : memref<16xi32, #tpu.memory_space<hbm>>) dst(%arg23 : memref<16xi32, #tpu.memory_space<vmem>>)
      tpu.yield
    }) : () -> ()
    %add3A_5 = arith.constant 320000 : i32
    %add3A_6 = arith.addi %add3A_5, %mul3A_2 : i32
    %add3A_7 = arith.constant 9984 : i32
    %add3A_8 = arith.addi %add3A_6, %add3A_7 : i32
    "tpu.region"() ({
      %run_scoped3A = tpu.sem_alloc : memref<!tpu.dma_semaphore, #tpu.memory_space<semaphore_mem>>
      %dma_start3A_122 = tpu.memref_slice %arg3[%add3A_8] : memref<640000xi32, #tpu.memory_space<hbm>> -> memref<16xi32, #tpu.memory_space<hbm>>
      %dma_start3A_123 = tpu.memref_slice %arg3[%add3A_8] : memref<640000xi32, #tpu.memory_space<hbm>> -> memref<16xi32, #tpu.memory_space<hbm>>
      tpu.enqueue_dma source(%dma_start3A_123 : memref<16xi32, #tpu.memory_space<hbm>>) target(%arg24 : memref<16xi32, #tpu.memory_space<vmem>>) target_semaphore(%run_scoped3A : memref<!tpu.dma_semaphore, #tpu.memory_space<semaphore_mem>>)
      %dma_wait3A_124 = tpu.memref_slice %arg3[%add3A_8] : memref<640000xi32, #tpu.memory_space<hbm>> -> memref<16xi32, #tpu.memory_space<hbm>>
      %dma_wait3A_125 = tpu.memref_slice %arg3[%add3A_8] : memref<640000xi32, #tpu.memory_space<hbm>> -> memref<16xi32, #tpu.memory_space<hbm>>
      tpu.wait_dma2 semaphore(%run_scoped3A : memref<!tpu.dma_semaphore, #tpu.memory_space<semaphore_mem>>) src(%dma_wait3A_125 : memref<16xi32, #tpu.memory_space<hbm>>) dst(%arg24 : memref<16xi32, #tpu.memory_space<vmem>>)
      tpu.yield
    }) : () -> ()
    %add3A_9 = arith.constant 320000 : i32
    %add3A_10 = arith.addi %add3A_9, %mul3A_2 : i32
    %add3A_11 = arith.constant 0 : i32
    %add3A_12 = arith.addi %add3A_10, %add3A_11 : i32
    %dma_start3A = tpu.memref_slice %arg3[%add3A_12] : memref<640000xi32, #tpu.memory_space<hbm>> -> memref<64xi32, #tpu.memory_space<hbm>>
    %dma_start3A_13 = tpu.memref_slice %arg3[%add3A_12] : memref<640000xi32, #tpu.memory_space<hbm>> -> memref<64xi32, #tpu.memory_space<hbm>>
    tpu.enqueue_dma source(%dma_start3A_13 : memref<64xi32, #tpu.memory_space<hbm>>) target(%arg7 : memref<64xi32, #tpu.memory_space<vmem>>) target_semaphore(%arg19 : memref<!tpu.dma_semaphore, #tpu.memory_space<semaphore_mem>>)
    %dma_start3A_14 = arith.constant 0 : i32
    %dma_start3A_15 = tpu.memref_slice %arg6[%dma_start3A_14] : memref<9984xi32, #tpu.memory_space<vmem>> -> memref<64xi32, #tpu.memory_space<vmem>>
    %dma_start3A_16 = arith.constant 0 : i32
    %dma_start3A_17 = arith.constant 0 : i32
    %dma_start3A_18 = tpu.memref_slice %arg2[%dma_start3A_16, %dma_start3A_17] : memref<10000x128xf32, #tpu.memory_space<hbm>> -> memref<10000x128xf32, #tpu.memory_space<hbm>>
    tpu.enqueue_indirect_dma source(%dma_start3A_18 : memref<10000x128xf32, #tpu.memory_space<hbm>>) target(%arg11 : memref<64x128xf32, #tpu.memory_space<vmem>>) offsets(%dma_start3A_15 : memref<64xi32, #tpu.memory_space<vmem>>) semaphore(%arg15 : memref<!tpu.dma_semaphore, #tpu.memory_space<semaphore_mem>>)
    %add3A_19 = arith.constant 320000 : i32
    %add3A_20 = arith.addi %add3A_19, %mul3A_2 : i32
    %add3A_21 = arith.constant 64 : i32
    %add3A_22 = arith.addi %add3A_20, %add3A_21 : i32
    %dma_start3A_23 = tpu.memref_slice %arg3[%add3A_22] : memref<640000xi32, #tpu.memory_space<hbm>> -> memref<64xi32, #tpu.memory_space<hbm>>
    %dma_start3A_24 = tpu.memref_slice %arg3[%add3A_22] : memref<640000xi32, #tpu.memory_space<hbm>> -> memref<64xi32, #tpu.memory_space<hbm>>
    tpu.enqueue_dma source(%dma_start3A_24 : memref<64xi32, #tpu.memory_space<hbm>>) target(%arg8 : memref<64xi32, #tpu.memory_space<vmem>>) target_semaphore(%arg20 : memref<!tpu.dma_semaphore, #tpu.memory_space<semaphore_mem>>)
    %dma_start3A_25 = arith.constant 64 : i32
    %dma_start3A_26 = tpu.memref_slice %arg6[%dma_start3A_25] : memref<9984xi32, #tpu.memory_space<vmem>> -> memref<64xi32, #tpu.memory_space<vmem>>
    %dma_start3A_27 = arith.constant 0 : i32
    %dma_start3A_28 = arith.constant 0 : i32
    %dma_start3A_29 = tpu.memref_slice %arg2[%dma_start3A_27, %dma_start3A_28] : memref<10000x128xf32, #tpu.memory_space<hbm>> -> memref<10000x128xf32, #tpu.memory_space<hbm>>
    tpu.enqueue_indirect_dma source(%dma_start3A_29 : memref<10000x128xf32, #tpu.memory_space<hbm>>) target(%arg12 : memref<64x128xf32, #tpu.memory_space<vmem>>) offsets(%dma_start3A_26 : memref<64xi32, #tpu.memory_space<vmem>>) semaphore(%arg16 : memref<!tpu.dma_semaphore, #tpu.memory_space<semaphore_mem>>)
    %add3A_30 = arith.constant 320000 : i32
    %add3A_31 = arith.addi %add3A_30, %mul3A_2 : i32
    %add3A_32 = arith.constant 128 : i32
    %add3A_33 = arith.addi %add3A_31, %add3A_32 : i32
    %dma_start3A_34 = tpu.memref_slice %arg3[%add3A_33] : memref<640000xi32, #tpu.memory_space<hbm>> -> memref<64xi32, #tpu.memory_space<hbm>>
    %dma_start3A_35 = tpu.memref_slice %arg3[%add3A_33] : memref<640000xi32, #tpu.memory_space<hbm>> -> memref<64xi32, #tpu.memory_space<hbm>>
    tpu.enqueue_dma source(%dma_start3A_35 : memref<64xi32, #tpu.memory_space<hbm>>) target(%arg9 : memref<64xi32, #tpu.memory_space<vmem>>) target_semaphore(%arg21 : memref<!tpu.dma_semaphore, #tpu.memory_space<semaphore_mem>>)
    %dma_start3A_36 = arith.constant 128 : i32
    %dma_start3A_37 = tpu.memref_slice %arg6[%dma_start3A_36] : memref<9984xi32, #tpu.memory_space<vmem>> -> memref<64xi32, #tpu.memory_space<vmem>>
    %dma_start3A_38 = arith.constant 0 : i32
    %dma_start3A_39 = arith.constant 0 : i32
    %dma_start3A_40 = tpu.memref_slice %arg2[%dma_start3A_38, %dma_start3A_39] : memref<10000x128xf32, #tpu.memory_space<hbm>> -> memref<10000x128xf32, #tpu.memory_space<hbm>>
    tpu.enqueue_indirect_dma source(%dma_start3A_40 : memref<10000x128xf32, #tpu.memory_space<hbm>>) target(%arg13 : memref<64x128xf32, #tpu.memory_space<vmem>>) offsets(%dma_start3A_37 : memref<64xi32, #tpu.memory_space<vmem>>) semaphore(%arg17 : memref<!tpu.dma_semaphore, #tpu.memory_space<semaphore_mem>>)
    %add3A_41 = arith.constant 320000 : i32
    %add3A_42 = arith.addi %add3A_41, %mul3A_2 : i32
    %add3A_43 = arith.constant 192 : i32
    %add3A_44 = arith.addi %add3A_42, %add3A_43 : i32
    %dma_start3A_45 = tpu.memref_slice %arg3[%add3A_44] : memref<640000xi32, #tpu.memory_space<hbm>> -> memref<64xi32, #tpu.memory_space<hbm>>
    %dma_start3A_46 = tpu.memref_slice %arg3[%add3A_44] : memref<640000xi32, #tpu.memory_space<hbm>> -> memref<64xi32, #tpu.memory_space<hbm>>
    tpu.enqueue_dma source(%dma_start3A_46 : memref<64xi32, #tpu.memory_space<hbm>>) target(%arg10 : memref<64xi32, #tpu.memory_space<vmem>>) target_semaphore(%arg22 : memref<!tpu.dma_semaphore, #tpu.memory_space<semaphore_mem>>)
    %dma_start3A_47 = arith.constant 192 : i32
    %dma_start3A_48 = tpu.memref_slice %arg6[%dma_start3A_47] : memref<9984xi32, #tpu.memory_space<vmem>> -> memref<64xi32, #tpu.memory_space<vmem>>
    %dma_start3A_49 = arith.constant 0 : i32
    %dma_start3A_50 = arith.constant 0 : i32
    %dma_start3A_51 = tpu.memref_slice %arg2[%dma_start3A_49, %dma_start3A_50] : memref<10000x128xf32, #tpu.memory_space<hbm>> -> memref<10000x128xf32, #tpu.memory_space<hbm>>
    tpu.enqueue_indirect_dma source(%dma_start3A_51 : memref<10000x128xf32, #tpu.memory_space<hbm>>) target(%arg14 : memref<64x128xf32, #tpu.memory_space<vmem>>) offsets(%dma_start3A_48 : memref<64xi32, #tpu.memory_space<vmem>>) semaphore(%arg18 : memref<!tpu.dma_semaphore, #tpu.memory_space<semaphore_mem>>)
    %dma_start3A_52 = arith.constant 0 : i32
    %dma_start3A_53 = arith.constant 0 : i32
    %dma_start3A_54 = tpu.memref_slice %arg2[%dma_start3A_52, %dma_start3A_53] : memref<10000x128xf32, #tpu.memory_space<hbm>> -> memref<10000x128xf32, #tpu.memory_space<hbm>>
    tpu.enqueue_indirect_dma source(%dma_start3A_54 : memref<10000x128xf32, #tpu.memory_space<hbm>>) target(%arg25 : memref<16x128xf32, #tpu.memory_space<vmem>>) offsets(%arg23 : memref<16xi32, #tpu.memory_space<vmem>>) semaphore(%arg26 : memref<!tpu.dma_semaphore, #tpu.memory_space<semaphore_mem>>)
    %lt3A = arith.constant 15 : i32
    %lt3A_55 = arith.cmpi slt, %arg1, %lt3A : i32
    %convert_element_type3A = arith.extui %lt3A_55 : i1 to i32
    %cond3A = arith.constant 0 : i32
    %cond3A_56 = arith.cmpi ne, %convert_element_type3A, %cond3A : i32
    scf.if %cond3A_56 {
      %mul3A_122 = arith.constant 624 : i32
      %mul3A_123 = arith.muli %arg1, %mul3A_122 : i32
      "tpu.region"() ({
        %run_scoped3A = tpu.sem_alloc : memref<!tpu.dma_semaphore, #tpu.memory_space<semaphore_mem>>
        %dma_start3A_124 = arith.constant 0 : i32
        %dma_start3A_125 = tpu.memref_slice %arg27[%mul3A_123, %dma_start3A_124] : memref<10000x128xf32, #tpu.memory_space<vmem_shared>> -> memref<624x128xf32, #tpu.memory_space<vmem_shared>>
        %dma_start3A_126 = arith.constant 0 : i32
        %dma_start3A_127 = arith.constant 0 : i32
        %dma_start3A_128 = tpu.memref_slice %arg4[%dma_start3A_126, %dma_start3A_127] : memref<640x128xf32, #tpu.memory_space<hbm>> -> memref<624x128xf32, #tpu.memory_space<hbm>>
        tpu.enqueue_dma source(%dma_start3A_128 : memref<624x128xf32, #tpu.memory_space<hbm>>) target(%dma_start3A_125 : memref<624x128xf32, #tpu.memory_space<vmem_shared>>) target_semaphore(%run_scoped3A : memref<!tpu.dma_semaphore, #tpu.memory_space<semaphore_mem>>)
        %dma_wait3A_129 = arith.constant 0 : i32
        %dma_wait3A_130 = tpu.memref_slice %arg27[%mul3A_123, %dma_wait3A_129] : memref<10000x128xf32, #tpu.memory_space<vmem_shared>> -> memref<624x128xf32, #tpu.memory_space<vmem_shared>>
        %dma_wait3A_131 = arith.constant 0 : i32
        %dma_wait3A_132 = arith.constant 0 : i32
        %dma_wait3A_133 = tpu.memref_slice %arg4[%dma_wait3A_131, %dma_wait3A_132] : memref<640x128xf32, #tpu.memory_space<hbm>> -> memref<624x128xf32, #tpu.memory_space<hbm>>
        tpu.wait_dma2 semaphore(%run_scoped3A : memref<!tpu.dma_semaphore, #tpu.memory_space<semaphore_mem>>) src(%dma_wait3A_133 : memref<624x128xf32, #tpu.memory_space<hbm>>) dst(%dma_wait3A_130 : memref<624x128xf32, #tpu.memory_space<vmem_shared>>)
        tpu.yield
      }) : () -> ()
    } else {
    }
    %eq3A = arith.constant 15 : i32
    %eq3A_57 = arith.cmpi eq, %arg1, %eq3A : i32
    %convert_element_type3A_58 = arith.extui %eq3A_57 : i1 to i32
    %cond3A_59 = arith.constant 0 : i32
    %cond3A_60 = arith.cmpi ne, %convert_element_type3A_58, %cond3A_59 : i32
    scf.if %cond3A_60 {
      "tpu.region"() ({
        %run_scoped3A = tpu.sem_alloc : memref<!tpu.dma_semaphore, #tpu.memory_space<semaphore_mem>>
        %dma_start3A_122 = arith.constant 9360 : i32
        %dma_start3A_123 = arith.constant 0 : i32
        %dma_start3A_124 = tpu.memref_slice %arg27[%dma_start3A_122, %dma_start3A_123] : memref<10000x128xf32, #tpu.memory_space<vmem_shared>> -> memref<640x128xf32, #tpu.memory_space<vmem_shared>>
        tpu.enqueue_dma source(%arg4 : memref<640x128xf32, #tpu.memory_space<hbm>>) target(%dma_start3A_124 : memref<640x128xf32, #tpu.memory_space<vmem_shared>>) target_semaphore(%run_scoped3A : memref<!tpu.dma_semaphore, #tpu.memory_space<semaphore_mem>>)
        %dma_wait3A_125 = arith.constant 9360 : i32
        %dma_wait3A_126 = arith.constant 0 : i32
        %dma_wait3A_127 = tpu.memref_slice %arg27[%dma_wait3A_125, %dma_wait3A_126] : memref<10000x128xf32, #tpu.memory_space<vmem_shared>> -> memref<640x128xf32, #tpu.memory_space<vmem_shared>>
        tpu.wait_dma2 semaphore(%run_scoped3A : memref<!tpu.dma_semaphore, #tpu.memory_space<semaphore_mem>>) src(%arg4 : memref<640x128xf32, #tpu.memory_space<hbm>>) dst(%dma_wait3A_127 : memref<640x128xf32, #tpu.memory_space<vmem_shared>>)
        tpu.yield
      }) : () -> ()
    } else {
    }
    %barrier3A = arith.constant 0 : index
    tpu.barrier barrier_id(%barrier3A)
    %scan3A = arith.constant 0 : i32
    %scan3A_61 = arith.constant 38 : i32
    %scan3A_62 = arith.addi %scan3A, %scan3A_61 : i32
    %scan3A_63 = arith.constant 1 : i32
    scf.for %scan3A_122 = %scan3A to %scan3A_62 step %scan3A_63  : i32 {
      %mul3A_123 = arith.constant 1 : i32
      %mul3A_124 = arith.muli %scan3A_122, %mul3A_123 : i32
      %add3A_125 = arith.constant 0 : i32
      %add3A_126 = arith.addi %add3A_125, %mul3A_124 : i32
      %mul3A_127 = arith.constant 4 : i32
      %mul3A_128 = arith.muli %add3A_126, %mul3A_127 : i32
      %add3A_129 = arith.constant 0 : i32
      %add3A_130 = arith.addi %mul3A_128, %add3A_129 : i32
      %add3A_131 = arith.constant 320000 : i32
      %add3A_132 = arith.addi %add3A_131, %mul3A_2 : i32
      %mul3A_133 = arith.constant 64 : i32
      %mul3A_134 = arith.muli %add3A_130, %mul3A_133 : i32
      %add3A_135 = arith.addi %add3A_132, %mul3A_134 : i32
      %dma_wait3A_136 = tpu.memref_slice %arg3[%add3A_135] : memref<640000xi32, #tpu.memory_space<hbm>> -> memref<64xi32, #tpu.memory_space<hbm>>
      %dma_wait3A_137 = tpu.memref_slice %arg3[%add3A_135] : memref<640000xi32, #tpu.memory_space<hbm>> -> memref<64xi32, #tpu.memory_space<hbm>>
      tpu.wait_dma2 semaphore(%arg19 : memref<!tpu.dma_semaphore, #tpu.memory_space<semaphore_mem>>) src(%dma_wait3A_137 : memref<64xi32, #tpu.memory_space<hbm>>) dst(%arg7 : memref<64xi32, #tpu.memory_space<vmem>>)
      %mul3A_138 = arith.constant 64 : i32
      %mul3A_139 = arith.muli %add3A_130, %mul3A_138 : i32
      %dma_wait3A_140 = tpu.memref_slice %arg6[%mul3A_139] : memref<9984xi32, #tpu.memory_space<vmem>> -> memref<64xi32, #tpu.memory_space<vmem>>
      %dma_wait3A_141 = arith.constant 0 : i32
      %dma_wait3A_142 = arith.constant 0 : i32
      %dma_wait3A_143 = tpu.memref_slice %arg2[%dma_wait3A_141, %dma_wait3A_142] : memref<10000x128xf32, #tpu.memory_space<hbm>> -> memref<10000x128xf32, #tpu.memory_space<hbm>>
      tpu.wait_indirect_dma semaphore(%arg15 : memref<!tpu.dma_semaphore, #tpu.memory_space<semaphore_mem>>) src(%dma_wait3A_143 : memref<10000x128xf32, #tpu.memory_space<hbm>>) dst(%arg11 : memref<64x128xf32, #tpu.memory_space<vmem>>)
      "tpu.region"() ({
        %run_scoped3A = tpu.sem_alloc : memref<!tpu.dma_semaphore, #tpu.memory_space<semaphore_mem>>
        %dma_start3A_257 = arith.constant 0 : i32
        %dma_start3A_258 = arith.constant 0 : i32
        %dma_start3A_259 = tpu.memref_slice %arg27[%dma_start3A_257, %dma_start3A_258] : memref<10000x128xf32, #tpu.memory_space<vmem_shared>> -> memref<10000x128xf32, #tpu.memory_space<vmem_shared>>
        tpu.enqueue_indirect_dma source(%arg11 : memref<64x128xf32, #tpu.memory_space<vmem>>) target(%dma_start3A_259 : memref<10000x128xf32, #tpu.memory_space<vmem_shared>>) offsets(%arg7 : memref<64xi32, #tpu.memory_space<vmem>>) semaphore(%run_scoped3A : memref<!tpu.dma_semaphore, #tpu.memory_space<semaphore_mem>>) {add = true}
        %dma_wait3A_260 = arith.constant 0 : i32
        %dma_wait3A_261 = arith.constant 0 : i32
        %dma_wait3A_262 = tpu.memref_slice %arg27[%dma_wait3A_260, %dma_wait3A_261] : memref<10000x128xf32, #tpu.memory_space<vmem_shared>> -> memref<10000x128xf32, #tpu.memory_space<vmem_shared>>
        tpu.wait_indirect_dma semaphore(%run_scoped3A : memref<!tpu.dma_semaphore, #tpu.memory_space<semaphore_mem>>) src(%arg11 : memref<64x128xf32, #tpu.memory_space<vmem>>) dst(%dma_wait3A_262 : memref<10000x128xf32, #tpu.memory_space<vmem_shared>>)
        tpu.yield
      }) : () -> ()
      %add3A_144 = arith.constant 4 : i32
      %add3A_145 = arith.addi %mul3A_128, %add3A_144 : i32
      %add3A_146 = arith.constant 0 : i32
      %add3A_147 = arith.addi %add3A_145, %add3A_146 : i32
      %add3A_148 = arith.constant 320000 : i32
      %add3A_149 = arith.addi %add3A_148, %mul3A_2 : i32
      %mul3A_150 = arith.constant 64 : i32
      %mul3A_151 = arith.muli %add3A_147, %mul3A_150 : i32
      %add3A_152 = arith.addi %add3A_149, %mul3A_151 : i32
      %dma_start3A_153 = tpu.memref_slice %arg3[%add3A_152] : memref<640000xi32, #tpu.memory_space<hbm>> -> memref<64xi32, #tpu.memory_space<hbm>>
      %dma_start3A_154 = tpu.memref_slice %arg3[%add3A_152] : memref<640000xi32, #tpu.memory_space<hbm>> -> memref<64xi32, #tpu.memory_space<hbm>>
      tpu.enqueue_dma source(%dma_start3A_154 : memref<64xi32, #tpu.memory_space<hbm>>) target(%arg7 : memref<64xi32, #tpu.memory_space<vmem>>) target_semaphore(%arg19 : memref<!tpu.dma_semaphore, #tpu.memory_space<semaphore_mem>>)
      %mul3A_155 = arith.constant 64 : i32
      %mul3A_156 = arith.muli %add3A_147, %mul3A_155 : i32
      %dma_start3A_157 = tpu.memref_slice %arg6[%mul3A_156] : memref<9984xi32, #tpu.memory_space<vmem>> -> memref<64xi32, #tpu.memory_space<vmem>>
      %dma_start3A_158 = arith.constant 0 : i32
      %dma_start3A_159 = arith.constant 0 : i32
      %dma_start3A_160 = tpu.memref_slice %arg2[%dma_start3A_158, %dma_start3A_159] : memref<10000x128xf32, #tpu.memory_space<hbm>> -> memref<10000x128xf32, #tpu.memory_space<hbm>>
      tpu.enqueue_indirect_dma source(%dma_start3A_160 : memref<10000x128xf32, #tpu.memory_space<hbm>>) target(%arg11 : memref<64x128xf32, #tpu.memory_space<vmem>>) offsets(%dma_start3A_157 : memref<64xi32, #tpu.memory_space<vmem>>) semaphore(%arg15 : memref<!tpu.dma_semaphore, #tpu.memory_space<semaphore_mem>>)
      %add3A_161 = arith.constant 1 : i32
      %add3A_162 = arith.addi %mul3A_128, %add3A_161 : i32
      %add3A_163 = arith.constant 320000 : i32
      %add3A_164 = arith.addi %add3A_163, %mul3A_2 : i32
      %mul3A_165 = arith.constant 64 : i32
      %mul3A_166 = arith.muli %add3A_162, %mul3A_165 : i32
      %add3A_167 = arith.addi %add3A_164, %mul3A_166 : i32
      %dma_wait3A_168 = tpu.memref_slice %arg3[%add3A_167] : memref<640000xi32, #tpu.memory_space<hbm>> -> memref<64xi32, #tpu.memory_space<hbm>>
      %dma_wait3A_169 = tpu.memref_slice %arg3[%add3A_167] : memref<640000xi32, #tpu.memory_space<hbm>> -> memref<64xi32, #tpu.memory_space<hbm>>
      tpu.wait_dma2 semaphore(%arg20 : memref<!tpu.dma_semaphore, #tpu.memory_space<semaphore_mem>>) src(%dma_wait3A_169 : memref<64xi32, #tpu.memory_space<hbm>>) dst(%arg8 : memref<64xi32, #tpu.memory_space<vmem>>)
      %mul3A_170 = arith.constant 64 : i32
      %mul3A_171 = arith.muli %add3A_162, %mul3A_170 : i32
      %dma_wait3A_172 = tpu.memref_slice %arg6[%mul3A_171] : memref<9984xi32, #tpu.memory_space<vmem>> -> memref<64xi32, #tpu.memory_space<vmem>>
      %dma_wait3A_173 = arith.constant 0 : i32
      %dma_wait3A_174 = arith.constant 0 : i32
      %dma_wait3A_175 = tpu.memref_slice %arg2[%dma_wait3A_173, %dma_wait3A_174] : memref<10000x128xf32, #tpu.memory_space<hbm>> -> memref<10000x128xf32, #tpu.memory_space<hbm>>
      tpu.wait_indirect_dma semaphore(%arg16 : memref<!tpu.dma_semaphore, #tpu.memory_space<semaphore_mem>>) src(%dma_wait3A_175 : memref<10000x128xf32, #tpu.memory_space<hbm>>) dst(%arg12 : memref<64x128xf32, #tpu.memory_space<vmem>>)
      "tpu.region"() ({
        %run_scoped3A = tpu.sem_alloc : memref<!tpu.dma_semaphore, #tpu.memory_space<semaphore_mem>>
        %dma_start3A_257 = arith.constant 0 : i32
        %dma_start3A_258 = arith.constant 0 : i32
        %dma_start3A_259 = tpu.memref_slice %arg27[%dma_start3A_257, %dma_start3A_258] : memref<10000x128xf32, #tpu.memory_space<vmem_shared>> -> memref<10000x128xf32, #tpu.memory_space<vmem_shared>>
        tpu.enqueue_indirect_dma source(%arg12 : memref<64x128xf32, #tpu.memory_space<vmem>>) target(%dma_start3A_259 : memref<10000x128xf32, #tpu.memory_space<vmem_shared>>) offsets(%arg8 : memref<64xi32, #tpu.memory_space<vmem>>) semaphore(%run_scoped3A : memref<!tpu.dma_semaphore, #tpu.memory_space<semaphore_mem>>) {add = true}
        %dma_wait3A_260 = arith.constant 0 : i32
        %dma_wait3A_261 = arith.constant 0 : i32
        %dma_wait3A_262 = tpu.memref_slice %arg27[%dma_wait3A_260, %dma_wait3A_261] : memref<10000x128xf32, #tpu.memory_space<vmem_shared>> -> memref<10000x128xf32, #tpu.memory_space<vmem_shared>>
        tpu.wait_indirect_dma semaphore(%run_scoped3A : memref<!tpu.dma_semaphore, #tpu.memory_space<semaphore_mem>>) src(%arg12 : memref<64x128xf32, #tpu.memory_space<vmem>>) dst(%dma_wait3A_262 : memref<10000x128xf32, #tpu.memory_space<vmem_shared>>)
        tpu.yield
      }) : () -> ()
      %add3A_176 = arith.constant 4 : i32
      %add3A_177 = arith.addi %mul3A_128, %add3A_176 : i32
      %add3A_178 = arith.constant 1 : i32
      %add3A_179 = arith.addi %add3A_177, %add3A_178 : i32
      %add3A_180 = arith.constant 320000 : i32
      %add3A_181 = arith.addi %add3A_180, %mul3A_2 : i32
      %mul3A_182 = arith.constant 64 : i32
      %mul3A_183 = arith.muli %add3A_179, %mul3A_182 : i32
      %add3A_184 = arith.addi %add3A_181, %mul3A_183 : i32
      %dma_start3A_185 = tpu.memref_slice %arg3[%add3A_184] : memref<640000xi32, #tpu.memory_space<hbm>> -> memref<64xi32, #tpu.memory_space<hbm>>
      %dma_start3A_186 = tpu.memref_slice %arg3[%add3A_184] : memref<640000xi32, #tpu.memory_space<hbm>> -> memref<64xi32, #tpu.memory_space<hbm>>
      tpu.enqueue_dma source(%dma_start3A_186 : memref<64xi32, #tpu.memory_space<hbm>>) target(%arg8 : memref<64xi32, #tpu.memory_space<vmem>>) target_semaphore(%arg20 : memref<!tpu.dma_semaphore, #tpu.memory_space<semaphore_mem>>)
      %mul3A_187 = arith.constant 64 : i32
      %mul3A_188 = arith.muli %add3A_179, %mul3A_187 : i32
      %dma_start3A_189 = tpu.memref_slice %arg6[%mul3A_188] : memref<9984xi32, #tpu.memory_space<vmem>> -> memref<64xi32, #tpu.memory_space<vmem>>
      %dma_start3A_190 = arith.constant 0 : i32
      %dma_start3A_191 = arith.constant 0 : i32
      %dma_start3A_192 = tpu.memref_slice %arg2[%dma_start3A_190, %dma_start3A_191] : memref<10000x128xf32, #tpu.memory_space<hbm>> -> memref<10000x128xf32, #tpu.memory_space<hbm>>
      tpu.enqueue_indirect_dma source(%dma_start3A_192 : memref<10000x128xf32, #tpu.memory_space<hbm>>) target(%arg12 : memref<64x128xf32, #tpu.memory_space<vmem>>) offsets(%dma_start3A_189 : memref<64xi32, #tpu.memory_space<vmem>>) semaphore(%arg16 : memref<!tpu.dma_semaphore, #tpu.memory_space<semaphore_mem>>)
      %add3A_193 = arith.constant 2 : i32
      %add3A_194 = arith.addi %mul3A_128, %add3A_193 : i32
      %add3A_195 = arith.constant 320000 : i32
      %add3A_196 = arith.addi %add3A_195, %mul3A_2 : i32
      %mul3A_197 = arith.constant 64 : i32
      %mul3A_198 = arith.muli %add3A_194, %mul3A_197 : i32
      %add3A_199 = arith.addi %add3A_196, %mul3A_198 : i32
      %dma_wait3A_200 = tpu.memref_slice %arg3[%add3A_199] : memref<640000xi32, #tpu.memory_space<hbm>> -> memref<64xi32, #tpu.memory_space<hbm>>
      %dma_wait3A_201 = tpu.memref_slice %arg3[%add3A_199] : memref<640000xi32, #tpu.memory_space<hbm>> -> memref<64xi32, #tpu.memory_space<hbm>>
      tpu.wait_dma2 semaphore(%arg21 : memref<!tpu.dma_semaphore, #tpu.memory_space<semaphore_mem>>) src(%dma_wait3A_201 : memref<64xi32, #tpu.memory_space<hbm>>) dst(%arg9 : memref<64xi32, #tpu.memory_space<vmem>>)
      %mul3A_202 = arith.constant 64 : i32
      %mul3A_203 = arith.muli %add3A_194, %mul3A_202 : i32
      %dma_wait3A_204 = tpu.memref_slice %arg6[%mul3A_203] : memref<9984xi32, #tpu.memory_space<vmem>> -> memref<64xi32, #tpu.memory_space<vmem>>
      %dma_wait3A_205 = arith.constant 0 : i32
      %dma_wait3A_206 = arith.constant 0 : i32
      %dma_wait3A_207 = tpu.memref_slice %arg2[%dma_wait3A_205, %dma_wait3A_206] : memref<10000x128xf32, #tpu.memory_space<hbm>> -> memref<10000x128xf32, #tpu.memory_space<hbm>>
      tpu.wait_indirect_dma semaphore(%arg17 : memref<!tpu.dma_semaphore, #tpu.memory_space<semaphore_mem>>) src(%dma_wait3A_207 : memref<10000x128xf32, #tpu.memory_space<hbm>>) dst(%arg13 : memref<64x128xf32, #tpu.memory_space<vmem>>)
      "tpu.region"() ({
        %run_scoped3A = tpu.sem_alloc : memref<!tpu.dma_semaphore, #tpu.memory_space<semaphore_mem>>
        %dma_start3A_257 = arith.constant 0 : i32
        %dma_start3A_258 = arith.constant 0 : i32
        %dma_start3A_259 = tpu.memref_slice %arg27[%dma_start3A_257, %dma_start3A_258] : memref<10000x128xf32, #tpu.memory_space<vmem_shared>> -> memref<10000x128xf32, #tpu.memory_space<vmem_shared>>
        tpu.enqueue_indirect_dma source(%arg13 : memref<64x128xf32, #tpu.memory_space<vmem>>) target(%dma_start3A_259 : memref<10000x128xf32, #tpu.memory_space<vmem_shared>>) offsets(%arg9 : memref<64xi32, #tpu.memory_space<vmem>>) semaphore(%run_scoped3A : memref<!tpu.dma_semaphore, #tpu.memory_space<semaphore_mem>>) {add = true}
        %dma_wait3A_260 = arith.constant 0 : i32
        %dma_wait3A_261 = arith.constant 0 : i32
        %dma_wait3A_262 = tpu.memref_slice %arg27[%dma_wait3A_260, %dma_wait3A_261] : memref<10000x128xf32, #tpu.memory_space<vmem_shared>> -> memref<10000x128xf32, #tpu.memory_space<vmem_shared>>
        tpu.wait_indirect_dma semaphore(%run_scoped3A : memref<!tpu.dma_semaphore, #tpu.memory_space<semaphore_mem>>) src(%arg13 : memref<64x128xf32, #tpu.memory_space<vmem>>) dst(%dma_wait3A_262 : memref<10000x128xf32, #tpu.memory_space<vmem_shared>>)
        tpu.yield
      }) : () -> ()
      %add3A_208 = arith.constant 4 : i32
      %add3A_209 = arith.addi %mul3A_128, %add3A_208 : i32
      %add3A_210 = arith.constant 2 : i32
      %add3A_211 = arith.addi %add3A_209, %add3A_210 : i32
      %add3A_212 = arith.constant 320000 : i32
      %add3A_213 = arith.addi %add3A_212, %mul3A_2 : i32
      %mul3A_214 = arith.constant 64 : i32
      %mul3A_215 = arith.muli %add3A_211, %mul3A_214 : i32
      %add3A_216 = arith.addi %add3A_213, %mul3A_215 : i32
      %dma_start3A_217 = tpu.memref_slice %arg3[%add3A_216] : memref<640000xi32, #tpu.memory_space<hbm>> -> memref<64xi32, #tpu.memory_space<hbm>>
      %dma_start3A_218 = tpu.memref_slice %arg3[%add3A_216] : memref<640000xi32, #tpu.memory_space<hbm>> -> memref<64xi32, #tpu.memory_space<hbm>>
      tpu.enqueue_dma source(%dma_start3A_218 : memref<64xi32, #tpu.memory_space<hbm>>) target(%arg9 : memref<64xi32, #tpu.memory_space<vmem>>) target_semaphore(%arg21 : memref<!tpu.dma_semaphore, #tpu.memory_space<semaphore_mem>>)
      %mul3A_219 = arith.constant 64 : i32
      %mul3A_220 = arith.muli %add3A_211, %mul3A_219 : i32
      %dma_start3A_221 = tpu.memref_slice %arg6[%mul3A_220] : memref<9984xi32, #tpu.memory_space<vmem>> -> memref<64xi32, #tpu.memory_space<vmem>>
      %dma_start3A_222 = arith.constant 0 : i32
      %dma_start3A_223 = arith.constant 0 : i32
      %dma_start3A_224 = tpu.memref_slice %arg2[%dma_start3A_222, %dma_start3A_223] : memref<10000x128xf32, #tpu.memory_space<hbm>> -> memref<10000x128xf32, #tpu.memory_space<hbm>>
      tpu.enqueue_indirect_dma source(%dma_start3A_224 : memref<10000x128xf32, #tpu.memory_space<hbm>>) target(%arg13 : memref<64x128xf32, #tpu.memory_space<vmem>>) offsets(%dma_start3A_221 : memref<64xi32, #tpu.memory_space<vmem>>) semaphore(%arg17 : memref<!tpu.dma_semaphore, #tpu.memory_space<semaphore_mem>>)
      %add3A_225 = arith.constant 3 : i32
      %add3A_226 = arith.addi %mul3A_128, %add3A_225 : i32
      %add3A_227 = arith.constant 320000 : i32
      %add3A_228 = arith.addi %add3A_227, %mul3A_2 : i32
      %mul3A_229 = arith.constant 64 : i32
      %mul3A_230 = arith.muli %add3A_226, %mul3A_229 : i32
      %add3A_231 = arith.addi %add3A_228, %mul3A_230 : i32
      %dma_wait3A_232 = tpu.memref_slice %arg3[%add3A_231] : memref<640000xi32, #tpu.memory_space<hbm>> -> memref<64xi32, #tpu.memory_space<hbm>>
      %dma_wait3A_233 = tpu.memref_slice %arg3[%add3A_231] : memref<640000xi32, #tpu.memory_space<hbm>> -> memref<64xi32, #tpu.memory_space<hbm>>
      tpu.wait_dma2 semaphore(%arg22 : memref<!tpu.dma_semaphore, #tpu.memory_space<semaphore_mem>>) src(%dma_wait3A_233 : memref<64xi32, #tpu.memory_space<hbm>>) dst(%arg10 : memref<64xi32, #tpu.memory_space<vmem>>)
      %mul3A_234 = arith.constant 64 : i32
      %mul3A_235 = arith.muli %add3A_226, %mul3A_234 : i32
      %dma_wait3A_236 = tpu.memref_slice %arg6[%mul3A_235] : memref<9984xi32, #tpu.memory_space<vmem>> -> memref<64xi32, #tpu.memory_space<vmem>>
      %dma_wait3A_237 = arith.constant 0 : i32
      %dma_wait3A_238 = arith.constant 0 : i32
      %dma_wait3A_239 = tpu.memref_slice %arg2[%dma_wait3A_237, %dma_wait3A_238] : memref<10000x128xf32, #tpu.memory_space<hbm>> -> memref<10000x128xf32, #tpu.memory_space<hbm>>
      tpu.wait_indirect_dma semaphore(%arg18 : memref<!tpu.dma_semaphore, #tpu.memory_space<semaphore_mem>>) src(%dma_wait3A_239 : memref<10000x128xf32, #tpu.memory_space<hbm>>) dst(%arg14 : memref<64x128xf32, #tpu.memory_space<vmem>>)
      "tpu.region"() ({
        %run_scoped3A = tpu.sem_alloc : memref<!tpu.dma_semaphore, #tpu.memory_space<semaphore_mem>>
        %dma_start3A_257 = arith.constant 0 : i32
        %dma_start3A_258 = arith.constant 0 : i32
        %dma_start3A_259 = tpu.memref_slice %arg27[%dma_start3A_257, %dma_start3A_258] : memref<10000x128xf32, #tpu.memory_space<vmem_shared>> -> memref<10000x128xf32, #tpu.memory_space<vmem_shared>>
        tpu.enqueue_indirect_dma source(%arg14 : memref<64x128xf32, #tpu.memory_space<vmem>>) target(%dma_start3A_259 : memref<10000x128xf32, #tpu.memory_space<vmem_shared>>) offsets(%arg10 : memref<64xi32, #tpu.memory_space<vmem>>) semaphore(%run_scoped3A : memref<!tpu.dma_semaphore, #tpu.memory_space<semaphore_mem>>) {add = true}
        %dma_wait3A_260 = arith.constant 0 : i32
        %dma_wait3A_261 = arith.constant 0 : i32
        %dma_wait3A_262 = tpu.memref_slice %arg27[%dma_wait3A_260, %dma_wait3A_261] : memref<10000x128xf32, #tpu.memory_space<vmem_shared>> -> memref<10000x128xf32, #tpu.memory_space<vmem_shared>>
        tpu.wait_indirect_dma semaphore(%run_scoped3A : memref<!tpu.dma_semaphore, #tpu.memory_space<semaphore_mem>>) src(%arg14 : memref<64x128xf32, #tpu.memory_space<vmem>>) dst(%dma_wait3A_262 : memref<10000x128xf32, #tpu.memory_space<vmem_shared>>)
        tpu.yield
      }) : () -> ()
      %add3A_240 = arith.constant 4 : i32
      %add3A_241 = arith.addi %mul3A_128, %add3A_240 : i32
      %add3A_242 = arith.constant 3 : i32
      %add3A_243 = arith.addi %add3A_241, %add3A_242 : i32
      %add3A_244 = arith.constant 320000 : i32
      %add3A_245 = arith.addi %add3A_244, %mul3A_2 : i32
      %mul3A_246 = arith.constant 64 : i32
      %mul3A_247 = arith.muli %add3A_243, %mul3A_246 : i32
      %add3A_248 = arith.addi %add3A_245, %mul3A_247 : i32
      %dma_start3A_249 = tpu.memref_slice %arg3[%add3A_248] : memref<640000xi32, #tpu.memory_space<hbm>> -> memref<64xi32, #tpu.memory_space<hbm>>
      %dma_start3A_250 = tpu.memref_slice %arg3[%add3A_248] : memref<640000xi32, #tpu.memory_space<hbm>> -> memref<64xi32, #tpu.memory_space<hbm>>
      tpu.enqueue_dma source(%dma_start3A_250 : memref<64xi32, #tpu.memory_space<hbm>>) target(%arg10 : memref<64xi32, #tpu.memory_space<vmem>>) target_semaphore(%arg22 : memref<!tpu.dma_semaphore, #tpu.memory_space<semaphore_mem>>)
      %mul3A_251 = arith.constant 64 : i32
      %mul3A_252 = arith.muli %add3A_243, %mul3A_251 : i32
      %dma_start3A_253 = tpu.memref_slice %arg6[%mul3A_252] : memref<9984xi32, #tpu.memory_space<vmem>> -> memref<64xi32, #tpu.memory_space<vmem>>
      %dma_start3A_254 = arith.constant 0 : i32
      %dma_start3A_255 = arith.constant 0 : i32
      %dma_start3A_256 = tpu.memref_slice %arg2[%dma_start3A_254, %dma_start3A_255] : memref<10000x128xf32, #tpu.memory_space<hbm>> -> memref<10000x128xf32, #tpu.memory_space<hbm>>
      tpu.enqueue_indirect_dma source(%dma_start3A_256 : memref<10000x128xf32, #tpu.memory_space<hbm>>) target(%arg14 : memref<64x128xf32, #tpu.memory_space<vmem>>) offsets(%dma_start3A_253 : memref<64xi32, #tpu.memory_space<vmem>>) semaphore(%arg18 : memref<!tpu.dma_semaphore, #tpu.memory_space<semaphore_mem>>)
    }
    %scan3A_64 = arith.constant 38 : i32
    %add3A_65 = arith.constant 320000 : i32
    %add3A_66 = arith.addi %add3A_65, %mul3A_2 : i32
    %add3A_67 = arith.constant 9728 : i32
    %add3A_68 = arith.addi %add3A_66, %add3A_67 : i32
    %dma_wait3A = tpu.memref_slice %arg3[%add3A_68] : memref<640000xi32, #tpu.memory_space<hbm>> -> memref<64xi32, #tpu.memory_space<hbm>>
    %dma_wait3A_69 = tpu.memref_slice %arg3[%add3A_68] : memref<640000xi32, #tpu.memory_space<hbm>> -> memref<64xi32, #tpu.memory_space<hbm>>
    tpu.wait_dma2 semaphore(%arg19 : memref<!tpu.dma_semaphore, #tpu.memory_space<semaphore_mem>>) src(%dma_wait3A_69 : memref<64xi32, #tpu.memory_space<hbm>>) dst(%arg7 : memref<64xi32, #tpu.memory_space<vmem>>)
    %dma_wait3A_70 = arith.constant 9728 : i32
    %dma_wait3A_71 = tpu.memref_slice %arg6[%dma_wait3A_70] : memref<9984xi32, #tpu.memory_space<vmem>> -> memref<64xi32, #tpu.memory_space<vmem>>
    %dma_wait3A_72 = arith.constant 0 : i32
    %dma_wait3A_73 = arith.constant 0 : i32
    %dma_wait3A_74 = tpu.memref_slice %arg2[%dma_wait3A_72, %dma_wait3A_73] : memref<10000x128xf32, #tpu.memory_space<hbm>> -> memref<10000x128xf32, #tpu.memory_space<hbm>>
    tpu.wait_indirect_dma semaphore(%arg15 : memref<!tpu.dma_semaphore, #tpu.memory_space<semaphore_mem>>) src(%dma_wait3A_74 : memref<10000x128xf32, #tpu.memory_space<hbm>>) dst(%arg11 : memref<64x128xf32, #tpu.memory_space<vmem>>)
    "tpu.region"() ({
      %run_scoped3A = tpu.sem_alloc : memref<!tpu.dma_semaphore, #tpu.memory_space<semaphore_mem>>
      %dma_start3A_122 = arith.constant 0 : i32
      %dma_start3A_123 = arith.constant 0 : i32
      %dma_start3A_124 = tpu.memref_slice %arg27[%dma_start3A_122, %dma_start3A_123] : memref<10000x128xf32, #tpu.memory_space<vmem_shared>> -> memref<10000x128xf32, #tpu.memory_space<vmem_shared>>
      tpu.enqueue_indirect_dma source(%arg11 : memref<64x128xf32, #tpu.memory_space<vmem>>) target(%dma_start3A_124 : memref<10000x128xf32, #tpu.memory_space<vmem_shared>>) offsets(%arg7 : memref<64xi32, #tpu.memory_space<vmem>>) semaphore(%run_scoped3A : memref<!tpu.dma_semaphore, #tpu.memory_space<semaphore_mem>>) {add = true}
      %dma_wait3A_125 = arith.constant 0 : i32
      %dma_wait3A_126 = arith.constant 0 : i32
      %dma_wait3A_127 = tpu.memref_slice %arg27[%dma_wait3A_125, %dma_wait3A_126] : memref<10000x128xf32, #tpu.memory_space<vmem_shared>> -> memref<10000x128xf32, #tpu.memory_space<vmem_shared>>
      tpu.wait_indirect_dma semaphore(%run_scoped3A : memref<!tpu.dma_semaphore, #tpu.memory_space<semaphore_mem>>) src(%arg11 : memref<64x128xf32, #tpu.memory_space<vmem>>) dst(%dma_wait3A_127 : memref<10000x128xf32, #tpu.memory_space<vmem_shared>>)
      tpu.yield
    }) : () -> ()
    %add3A_75 = arith.constant 320000 : i32
    %add3A_76 = arith.addi %add3A_75, %mul3A_2 : i32
    %add3A_77 = arith.constant 9792 : i32
    %add3A_78 = arith.addi %add3A_76, %add3A_77 : i32
    %dma_wait3A_79 = tpu.memref_slice %arg3[%add3A_78] : memref<640000xi32, #tpu.memory_space<hbm>> -> memref<64xi32, #tpu.memory_space<hbm>>
    %dma_wait3A_80 = tpu.memref_slice %arg3[%add3A_78] : memref<640000xi32, #tpu.memory_space<hbm>> -> memref<64xi32, #tpu.memory_space<hbm>>
    tpu.wait_dma2 semaphore(%arg20 : memref<!tpu.dma_semaphore, #tpu.memory_space<semaphore_mem>>) src(%dma_wait3A_80 : memref<64xi32, #tpu.memory_space<hbm>>) dst(%arg8 : memref<64xi32, #tpu.memory_space<vmem>>)
    %dma_wait3A_81 = arith.constant 9792 : i32
    %dma_wait3A_82 = tpu.memref_slice %arg6[%dma_wait3A_81] : memref<9984xi32, #tpu.memory_space<vmem>> -> memref<64xi32, #tpu.memory_space<vmem>>
    %dma_wait3A_83 = arith.constant 0 : i32
    %dma_wait3A_84 = arith.constant 0 : i32
    %dma_wait3A_85 = tpu.memref_slice %arg2[%dma_wait3A_83, %dma_wait3A_84] : memref<10000x128xf32, #tpu.memory_space<hbm>> -> memref<10000x128xf32, #tpu.memory_space<hbm>>
    tpu.wait_indirect_dma semaphore(%arg16 : memref<!tpu.dma_semaphore, #tpu.memory_space<semaphore_mem>>) src(%dma_wait3A_85 : memref<10000x128xf32, #tpu.memory_space<hbm>>) dst(%arg12 : memref<64x128xf32, #tpu.memory_space<vmem>>)
    "tpu.region"() ({
      %run_scoped3A = tpu.sem_alloc : memref<!tpu.dma_semaphore, #tpu.memory_space<semaphore_mem>>
      %dma_start3A_122 = arith.constant 0 : i32
      %dma_start3A_123 = arith.constant 0 : i32
      %dma_start3A_124 = tpu.memref_slice %arg27[%dma_start3A_122, %dma_start3A_123] : memref<10000x128xf32, #tpu.memory_space<vmem_shared>> -> memref<10000x128xf32, #tpu.memory_space<vmem_shared>>
      tpu.enqueue_indirect_dma source(%arg12 : memref<64x128xf32, #tpu.memory_space<vmem>>) target(%dma_start3A_124 : memref<10000x128xf32, #tpu.memory_space<vmem_shared>>) offsets(%arg8 : memref<64xi32, #tpu.memory_space<vmem>>) semaphore(%run_scoped3A : memref<!tpu.dma_semaphore, #tpu.memory_space<semaphore_mem>>) {add = true}
      %dma_wait3A_125 = arith.constant 0 : i32
      %dma_wait3A_126 = arith.constant 0 : i32
      %dma_wait3A_127 = tpu.memref_slice %arg27[%dma_wait3A_125, %dma_wait3A_126] : memref<10000x128xf32, #tpu.memory_space<vmem_shared>> -> memref<10000x128xf32, #tpu.memory_space<vmem_shared>>
      tpu.wait_indirect_dma semaphore(%run_scoped3A : memref<!tpu.dma_semaphore, #tpu.memory_space<semaphore_mem>>) src(%arg12 : memref<64x128xf32, #tpu.memory_space<vmem>>) dst(%dma_wait3A_127 : memref<10000x128xf32, #tpu.memory_space<vmem_shared>>)
      tpu.yield
    }) : () -> ()
    %add3A_86 = arith.constant 320000 : i32
    %add3A_87 = arith.addi %add3A_86, %mul3A_2 : i32
    %add3A_88 = arith.constant 9856 : i32
    %add3A_89 = arith.addi %add3A_87, %add3A_88 : i32
    %dma_wait3A_90 = tpu.memref_slice %arg3[%add3A_89] : memref<640000xi32, #tpu.memory_space<hbm>> -> memref<64xi32, #tpu.memory_space<hbm>>
    %dma_wait3A_91 = tpu.memref_slice %arg3[%add3A_89] : memref<640000xi32, #tpu.memory_space<hbm>> -> memref<64xi32, #tpu.memory_space<hbm>>
    tpu.wait_dma2 semaphore(%arg21 : memref<!tpu.dma_semaphore, #tpu.memory_space<semaphore_mem>>) src(%dma_wait3A_91 : memref<64xi32, #tpu.memory_space<hbm>>) dst(%arg9 : memref<64xi32, #tpu.memory_space<vmem>>)
    %dma_wait3A_92 = arith.constant 9856 : i32
    %dma_wait3A_93 = tpu.memref_slice %arg6[%dma_wait3A_92] : memref<9984xi32, #tpu.memory_space<vmem>> -> memref<64xi32, #tpu.memory_space<vmem>>
    %dma_wait3A_94 = arith.constant 0 : i32
    %dma_wait3A_95 = arith.constant 0 : i32
    %dma_wait3A_96 = tpu.memref_slice %arg2[%dma_wait3A_94, %dma_wait3A_95] : memref<10000x128xf32, #tpu.memory_space<hbm>> -> memref<10000x128xf32, #tpu.memory_space<hbm>>
    tpu.wait_indirect_dma semaphore(%arg17 : memref<!tpu.dma_semaphore, #tpu.memory_space<semaphore_mem>>) src(%dma_wait3A_96 : memref<10000x128xf32, #tpu.memory_space<hbm>>) dst(%arg13 : memref<64x128xf32, #tpu.memory_space<vmem>>)
    "tpu.region"() ({
      %run_scoped3A = tpu.sem_alloc : memref<!tpu.dma_semaphore, #tpu.memory_space<semaphore_mem>>
      %dma_start3A_122 = arith.constant 0 : i32
      %dma_start3A_123 = arith.constant 0 : i32
      %dma_start3A_124 = tpu.memref_slice %arg27[%dma_start3A_122, %dma_start3A_123] : memref<10000x128xf32, #tpu.memory_space<vmem_shared>> -> memref<10000x128xf32, #tpu.memory_space<vmem_shared>>
      tpu.enqueue_indirect_dma source(%arg13 : memref<64x128xf32, #tpu.memory_space<vmem>>) target(%dma_start3A_124 : memref<10000x128xf32, #tpu.memory_space<vmem_shared>>) offsets(%arg9 : memref<64xi32, #tpu.memory_space<vmem>>) semaphore(%run_scoped3A : memref<!tpu.dma_semaphore, #tpu.memory_space<semaphore_mem>>) {add = true}
      %dma_wait3A_125 = arith.constant 0 : i32
      %dma_wait3A_126 = arith.constant 0 : i32
      %dma_wait3A_127 = tpu.memref_slice %arg27[%dma_wait3A_125, %dma_wait3A_126] : memref<10000x128xf32, #tpu.memory_space<vmem_shared>> -> memref<10000x128xf32, #tpu.memory_space<vmem_shared>>
      tpu.wait_indirect_dma semaphore(%run_scoped3A : memref<!tpu.dma_semaphore, #tpu.memory_space<semaphore_mem>>) src(%arg13 : memref<64x128xf32, #tpu.memory_space<vmem>>) dst(%dma_wait3A_127 : memref<10000x128xf32, #tpu.memory_space<vmem_shared>>)
      tpu.yield
    }) : () -> ()
    %add3A_97 = arith.constant 320000 : i32
    %add3A_98 = arith.addi %add3A_97, %mul3A_2 : i32
    %add3A_99 = arith.constant 9920 : i32
    %add3A_100 = arith.addi %add3A_98, %add3A_99 : i32
    %dma_wait3A_101 = tpu.memref_slice %arg3[%add3A_100] : memref<640000xi32, #tpu.memory_space<hbm>> -> memref<64xi32, #tpu.memory_space<hbm>>
    %dma_wait3A_102 = tpu.memref_slice %arg3[%add3A_100] : memref<640000xi32, #tpu.memory_space<hbm>> -> memref<64xi32, #tpu.memory_space<hbm>>
    tpu.wait_dma2 semaphore(%arg22 : memref<!tpu.dma_semaphore, #tpu.memory_space<semaphore_mem>>) src(%dma_wait3A_102 : memref<64xi32, #tpu.memory_space<hbm>>) dst(%arg10 : memref<64xi32, #tpu.memory_space<vmem>>)
    %dma_wait3A_103 = arith.constant 9920 : i32
    %dma_wait3A_104 = tpu.memref_slice %arg6[%dma_wait3A_103] : memref<9984xi32, #tpu.memory_space<vmem>> -> memref<64xi32, #tpu.memory_space<vmem>>
    %dma_wait3A_105 = arith.constant 0 : i32
    %dma_wait3A_106 = arith.constant 0 : i32
    %dma_wait3A_107 = tpu.memref_slice %arg2[%dma_wait3A_105, %dma_wait3A_106] : memref<10000x128xf32, #tpu.memory_space<hbm>> -> memref<10000x128xf32, #tpu.memory_space<hbm>>
    tpu.wait_indirect_dma semaphore(%arg18 : memref<!tpu.dma_semaphore, #tpu.memory_space<semaphore_mem>>) src(%dma_wait3A_107 : memref<10000x128xf32, #tpu.memory_space<hbm>>) dst(%arg14 : memref<64x128xf32, #tpu.memory_space<vmem>>)
    "tpu.region"() ({
      %run_scoped3A = tpu.sem_alloc : memref<!tpu.dma_semaphore, #tpu.memory_space<semaphore_mem>>
      %dma_start3A_122 = arith.constant 0 : i32
      %dma_start3A_123 = arith.constant 0 : i32
      %dma_start3A_124 = tpu.memref_slice %arg27[%dma_start3A_122, %dma_start3A_123] : memref<10000x128xf32, #tpu.memory_space<vmem_shared>> -> memref<10000x128xf32, #tpu.memory_space<vmem_shared>>
      tpu.enqueue_indirect_dma source(%arg14 : memref<64x128xf32, #tpu.memory_space<vmem>>) target(%dma_start3A_124 : memref<10000x128xf32, #tpu.memory_space<vmem_shared>>) offsets(%arg10 : memref<64xi32, #tpu.memory_space<vmem>>) semaphore(%run_scoped3A : memref<!tpu.dma_semaphore, #tpu.memory_space<semaphore_mem>>) {add = true}
      %dma_wait3A_125 = arith.constant 0 : i32
      %dma_wait3A_126 = arith.constant 0 : i32
      %dma_wait3A_127 = tpu.memref_slice %arg27[%dma_wait3A_125, %dma_wait3A_126] : memref<10000x128xf32, #tpu.memory_space<vmem_shared>> -> memref<10000x128xf32, #tpu.memory_space<vmem_shared>>
      tpu.wait_indirect_dma semaphore(%run_scoped3A : memref<!tpu.dma_semaphore, #tpu.memory_space<semaphore_mem>>) src(%arg14 : memref<64x128xf32, #tpu.memory_space<vmem>>) dst(%dma_wait3A_127 : memref<10000x128xf32, #tpu.memory_space<vmem_shared>>)
      tpu.yield
    }) : () -> ()
    %dma_wait3A_108 = arith.constant 0 : i32
    %dma_wait3A_109 = arith.constant 0 : i32
    %dma_wait3A_110 = tpu.memref_slice %arg2[%dma_wait3A_108, %dma_wait3A_109] : memref<10000x128xf32, #tpu.memory_space<hbm>> -> memref<10000x128xf32, #tpu.memory_space<hbm>>
    tpu.wait_indirect_dma semaphore(%arg26 : memref<!tpu.dma_semaphore, #tpu.memory_space<semaphore_mem>>) src(%dma_wait3A_110 : memref<10000x128xf32, #tpu.memory_space<hbm>>) dst(%arg25 : memref<16x128xf32, #tpu.memory_space<vmem>>)
    "tpu.region"() ({
      %run_scoped3A = tpu.sem_alloc : memref<!tpu.dma_semaphore, #tpu.memory_space<semaphore_mem>>
      %dma_start3A_122 = arith.constant 0 : i32
      %dma_start3A_123 = arith.constant 0 : i32
      %dma_start3A_124 = tpu.memref_slice %arg27[%dma_start3A_122, %dma_start3A_123] : memref<10000x128xf32, #tpu.memory_space<vmem_shared>> -> memref<10000x128xf32, #tpu.memory_space<vmem_shared>>
      tpu.enqueue_indirect_dma source(%arg25 : memref<16x128xf32, #tpu.memory_space<vmem>>) target(%dma_start3A_124 : memref<10000x128xf32, #tpu.memory_space<vmem_shared>>) offsets(%arg24 : memref<16xi32, #tpu.memory_space<vmem>>) semaphore(%run_scoped3A : memref<!tpu.dma_semaphore, #tpu.memory_space<semaphore_mem>>) {add = true}
      %dma_wait3A_125 = arith.constant 0 : i32
      %dma_wait3A_126 = arith.constant 0 : i32
      %dma_wait3A_127 = tpu.memref_slice %arg27[%dma_wait3A_125, %dma_wait3A_126] : memref<10000x128xf32, #tpu.memory_space<vmem_shared>> -> memref<10000x128xf32, #tpu.memory_space<vmem_shared>>
      tpu.wait_indirect_dma semaphore(%run_scoped3A : memref<!tpu.dma_semaphore, #tpu.memory_space<semaphore_mem>>) src(%arg25 : memref<16x128xf32, #tpu.memory_space<vmem>>) dst(%dma_wait3A_127 : memref<10000x128xf32, #tpu.memory_space<vmem_shared>>)
      tpu.yield
    }) : () -> ()
    %barrier3A_111 = arith.constant 0 : index
    tpu.barrier barrier_id(%barrier3A_111)
    %lt3A_112 = arith.constant 15 : i32
    %lt3A_113 = arith.cmpi slt, %arg1, %lt3A_112 : i32
    %convert_element_type3A_114 = arith.extui %lt3A_113 : i1 to i32
    %cond3A_115 = arith.constant 0 : i32
    %cond3A_116 = arith.cmpi ne, %convert_element_type3A_114, %cond3A_115 : i32
    scf.if %cond3A_116 {
      %mul3A_122 = arith.constant 624 : i32
      %mul3A_123 = arith.muli %arg1, %mul3A_122 : i32
      %mul3A_124 = arith.constant 624 : i32
      %mul3A_125 = arith.muli %arg1, %mul3A_124 : i32
      "tpu.region"() ({
        %run_scoped3A = tpu.sem_alloc : memref<!tpu.dma_semaphore, #tpu.memory_space<semaphore_mem>>
        %dma_start3A_126 = arith.constant 0 : i32
        %dma_start3A_127 = tpu.memref_slice %arg5[%arg0, %mul3A_125, %dma_start3A_126] : memref<2x10000x128xf32, #tpu.memory_space<hbm>> -> memref<1x624x128xf32, #tpu.memory_space<hbm>>
        %dma_start3A_128 = tpu.memref_squeeze %dma_start3A_127 : memref<1x624x128xf32, #tpu.memory_space<hbm>> -> memref<624x128xf32, #tpu.memory_space<hbm>>
        %dma_start3A_129 = arith.constant 0 : i32
        %dma_start3A_130 = tpu.memref_slice %arg27[%mul3A_123, %dma_start3A_129] : memref<10000x128xf32, #tpu.memory_space<vmem_shared>> -> memref<624x128xf32, #tpu.memory_space<vmem_shared>>
        tpu.enqueue_dma source(%dma_start3A_130 : memref<624x128xf32, #tpu.memory_space<vmem_shared>>) target(%dma_start3A_128 : memref<624x128xf32, #tpu.memory_space<hbm>>) target_semaphore(%run_scoped3A : memref<!tpu.dma_semaphore, #tpu.memory_space<semaphore_mem>>)
        %dma_wait3A_131 = arith.constant 0 : i32
        %dma_wait3A_132 = tpu.memref_slice %arg5[%arg0, %mul3A_125, %dma_wait3A_131] : memref<2x10000x128xf32, #tpu.memory_space<hbm>> -> memref<1x624x128xf32, #tpu.memory_space<hbm>>
        %dma_wait3A_133 = tpu.memref_squeeze %dma_wait3A_132 : memref<1x624x128xf32, #tpu.memory_space<hbm>> -> memref<624x128xf32, #tpu.memory_space<hbm>>
        %dma_wait3A_134 = arith.constant 0 : i32
        %dma_wait3A_135 = tpu.memref_slice %arg27[%mul3A_123, %dma_wait3A_134] : memref<10000x128xf32, #tpu.memory_space<vmem_shared>> -> memref<624x128xf32, #tpu.memory_space<vmem_shared>>
        tpu.wait_dma2 semaphore(%run_scoped3A : memref<!tpu.dma_semaphore, #tpu.memory_space<semaphore_mem>>) src(%dma_wait3A_135 : memref<624x128xf32, #tpu.memory_space<vmem_shared>>) dst(%dma_wait3A_133 : memref<624x128xf32, #tpu.memory_space<hbm>>)
        tpu.yield
      }) : () -> ()
    } else {
    }
    %eq3A_117 = arith.constant 15 : i32
    %eq3A_118 = arith.cmpi eq, %arg1, %eq3A_117 : i32
    %convert_element_type3A_119 = arith.extui %eq3A_118 : i1 to i32
    %cond3A_120 = arith.constant 0 : i32
    %cond3A_121 = arith.cmpi ne, %convert_element_type3A_119, %cond3A_120 : i32
    scf.if %cond3A_121 {
      "tpu.region"() ({
        %run_scoped3A = tpu.sem_alloc : memref<!tpu.dma_semaphore, #tpu.memory_space<semaphore_mem>>
        %dma_start3A_122 = arith.constant 9360 : i32
        %dma_start3A_123 = arith.constant 0 : i32
        %dma_start3A_124 = tpu.memref_slice %arg5[%arg0, %dma_start3A_122, %dma_start3A_123] : memref<2x10000x128xf32, #tpu.memory_space<hbm>> -> memref<1x640x128xf32, #tpu.memory_space<hbm>>
        %dma_start3A_125 = tpu.memref_squeeze %dma_start3A_124 : memref<1x640x128xf32, #tpu.memory_space<hbm>> -> memref<640x128xf32, #tpu.memory_space<hbm>>
        %dma_start3A_126 = arith.constant 9360 : i32
        %dma_start3A_127 = arith.constant 0 : i32
        %dma_start3A_128 = tpu.memref_slice %arg27[%dma_start3A_126, %dma_start3A_127] : memref<10000x128xf32, #tpu.memory_space<vmem_shared>> -> memref<640x128xf32, #tpu.memory_space<vmem_shared>>
        tpu.enqueue_dma source(%dma_start3A_128 : memref<640x128xf32, #tpu.memory_space<vmem_shared>>) target(%dma_start3A_125 : memref<640x128xf32, #tpu.memory_space<hbm>>) target_semaphore(%run_scoped3A : memref<!tpu.dma_semaphore, #tpu.memory_space<semaphore_mem>>)
        %dma_wait3A_129 = arith.constant 9360 : i32
        %dma_wait3A_130 = arith.constant 0 : i32
        %dma_wait3A_131 = tpu.memref_slice %arg5[%arg0, %dma_wait3A_129, %dma_wait3A_130] : memref<2x10000x128xf32, #tpu.memory_space<hbm>> -> memref<1x640x128xf32, #tpu.memory_space<hbm>>
        %dma_wait3A_132 = tpu.memref_squeeze %dma_wait3A_131 : memref<1x640x128xf32, #tpu.memory_space<hbm>> -> memref<640x128xf32, #tpu.memory_space<hbm>>
        %dma_wait3A_133 = arith.constant 9360 : i32
        %dma_wait3A_134 = arith.constant 0 : i32
        %dma_wait3A_135 = tpu.memref_slice %arg27[%dma_wait3A_133, %dma_wait3A_134] : memref<10000x128xf32, #tpu.memory_space<vmem_shared>> -> memref<640x128xf32, #tpu.memory_space<vmem_shared>>
        tpu.wait_dma2 semaphore(%run_scoped3A : memref<!tpu.dma_semaphore, #tpu.memory_space<semaphore_mem>>) src(%dma_wait3A_135 : memref<640x128xf32, #tpu.memory_space<vmem_shared>>) dst(%dma_wait3A_132 : memref<640x128xf32, #tpu.memory_space<hbm>>)
        tpu.yield
      }) : () -> ()
    } else {
    }
    return
  }
}

#map = affine_map<(d0, d1) -> (0, 0)>
#map1 = affine_map<(d0, d1) -> (0)>
#map2 = affine_map<(d0, d1) -> (0, 0, 0)>
module attributes {stable_mosaic.version = 14 : i64} {
  func.func @_sc_aggregate(%arg0: i32, %arg1: i32, %arg2: memref<10000x128xf32, #tpu.memory_space<hbm>>, %arg3: memref<640000xi32, #tpu.memory_space<hbm>>, %arg4: memref<640x128xf32, #tpu.memory_space<hbm>>, %arg5: memref<2x10000x128xf32, #tpu.memory_space<hbm>>, %arg6: memref<9984xi32, #tpu.memory_space<vmem>>, %arg7: memref<64xi32, #tpu.memory_space<vmem>>, %arg8: memref<64xi32, #tpu.memory_space<vmem>>, %arg9: memref<64xi32, #tpu.memory_space<vmem>>, %arg10: memref<64xi32, #tpu.memory_space<vmem>>, %arg11: memref<64x128xf32, #tpu.memory_space<vmem>>, %arg12: memref<64x128xf32, #tpu.memory_space<vmem>>, %arg13: memref<64x128xf32, #tpu.memory_space<vmem>>, %arg14: memref<64x128xf32, #tpu.memory_space<vmem>>, %arg15: memref<!tpu.dma_semaphore, #tpu.memory_space<semaphore_mem>>, %arg16: memref<!tpu.dma_semaphore, #tpu.memory_space<semaphore_mem>>, %arg17: memref<!tpu.dma_semaphore, #tpu.memory_space<semaphore_mem>>, %arg18: memref<!tpu.dma_semaphore, #tpu.memory_space<semaphore_mem>>, %arg19: memref<!tpu.dma_semaphore, #tpu.memory_space<semaphore_mem>>, %arg20: memref<!tpu.dma_semaphore, #tpu.memory_space<semaphore_mem>>, %arg21: memref<!tpu.dma_semaphore, #tpu.memory_space<semaphore_mem>>, %arg22: memref<!tpu.dma_semaphore, #tpu.memory_space<semaphore_mem>>, %arg23: memref<16xi32, #tpu.memory_space<vmem>>, %arg24: memref<16xi32, #tpu.memory_space<vmem>>, %arg25: memref<16x128xf32, #tpu.memory_space<vmem>>, %arg26: memref<!tpu.dma_semaphore, #tpu.memory_space<semaphore_mem>>, %arg27: memref<10000x128xf32, #tpu.memory_space<vmem_shared>>) attributes {dimension_semantics = [#tpu.dimension_semantics<core_parallel>, #tpu.dimension_semantics<subcore_parallel>], iteration_bounds = array<i64: 2, 16>, scalar_prefetch = 0 : i64, scratch_operands = 22 : i64, tpu.core_type = #tpu.core_type<sc_vector_subcore>, window_params = [{transform_indices = #map}, {transform_indices = #map1}, {transform_indices = #map}, {transform_indices = #map2}]} {
    %mul3A = arith.constant 16 : i32
    %mul3A_0 = arith.muli %arg0, %mul3A : i32
    %add3A = arith.addi %mul3A_0, %arg1 : i32
    %mul3A_1 = arith.constant 10000 : i32
    %mul3A_2 = arith.muli %add3A, %mul3A_1 : i32
    "tpu.region"() ({
      %run_scoped3A = tpu.sem_alloc : memref<!tpu.dma_semaphore, #tpu.memory_space<semaphore_mem>>
      %dma_start3A_122 = tpu.memref_slice %arg3[%mul3A_2] : memref<640000xi32, #tpu.memory_space<hbm>> -> memref<9984xi32, #tpu.memory_space<hbm>>
      %dma_start3A_123 = tpu.memref_slice %arg3[%mul3A_2] : memref<640000xi32, #tpu.memory_space<hbm>> -> memref<9984xi32, #tpu.memory_space<hbm>>
      tpu.enqueue_dma source(%dma_start3A_123 : memref<9984xi32, #tpu.memory_space<hbm>>) target(%arg6 : memref<9984xi32, #tpu.memory_space<vmem>>) target_semaphore(%run_scoped3A : memref<!tpu.dma_semaphore, #tpu.memory_space<semaphore_mem>>)
      %dma_wait3A_124 = tpu.memref_slice %arg3[%mul3A_2] : memref<640000xi32, #tpu.memory_space<hbm>> -> memref<9984xi32, #tpu.memory_space<hbm>>
      %dma_wait3A_125 = tpu.memref_slice %arg3[%mul3A_2] : memref<640000xi32, #tpu.memory_space<hbm>> -> memref<9984xi32, #tpu.memory_space<hbm>>
      tpu.wait_dma2 semaphore(%run_scoped3A : memref<!tpu.dma_semaphore, #tpu.memory_space<semaphore_mem>>) src(%dma_wait3A_125 : memref<9984xi32, #tpu.memory_space<hbm>>) dst(%arg6 : memref<9984xi32, #tpu.memory_space<vmem>>)
      tpu.yield
    }) : () -> ()
    %add3A_3 = arith.constant 9984 : i32
    %add3A_4 = arith.addi %mul3A_2, %add3A_3 : i32
    "tpu.region"() ({
      %run_scoped3A = tpu.sem_alloc : memref<!tpu.dma_semaphore, #tpu.memory_space<semaphore_mem>>
      %dma_start3A_122 = tpu.memref_slice %arg3[%add3A_4] : memref<640000xi32, #tpu.memory_space<hbm>> -> memref<16xi32, #tpu.memory_space<hbm>>
      %dma_start3A_123 = tpu.memref_slice %arg3[%add3A_4] : memref<640000xi32, #tpu.memory_space<hbm>> -> memref<16xi32, #tpu.memory_space<hbm>>
      tpu.enqueue_dma source(%dma_start3A_123 : memref<16xi32, #tpu.memory_space<hbm>>) target(%arg23 : memref<16xi32, #tpu.memory_space<vmem>>) target_semaphore(%run_scoped3A : memref<!tpu.dma_semaphore, #tpu.memory_space<semaphore_mem>>)
      %dma_wait3A_124 = tpu.memref_slice %arg3[%add3A_4] : memref<640000xi32, #tpu.memory_space<hbm>> -> memref<16xi32, #tpu.memory_space<hbm>>
      %dma_wait3A_125 = tpu.memref_slice %arg3[%add3A_4] : memref<640000xi32, #tpu.memory_space<hbm>> -> memref<16xi32, #tpu.memory_space<hbm>>
      tpu.wait_dma2 semaphore(%run_scoped3A : memref<!tpu.dma_semaphore, #tpu.memory_space<semaphore_mem>>) src(%dma_wait3A_125 : memref<16xi32, #tpu.memory_space<hbm>>) dst(%arg23 : memref<16xi32, #tpu.memory_space<vmem>>)
      tpu.yield
    }) : () -> ()
    %add3A_5 = arith.constant 320000 : i32
    %add3A_6 = arith.addi %add3A_5, %mul3A_2 : i32
    %add3A_7 = arith.constant 9984 : i32
    %add3A_8 = arith.addi %add3A_6, %add3A_7 : i32
    "tpu.region"() ({
      %run_scoped3A = tpu.sem_alloc : memref<!tpu.dma_semaphore, #tpu.memory_space<semaphore_mem>>
      %dma_start3A_122 = tpu.memref_slice %arg3[%add3A_8] : memref<640000xi32, #tpu.memory_space<hbm>> -> memref<16xi32, #tpu.memory_space<hbm>>
      %dma_start3A_123 = tpu.memref_slice %arg3[%add3A_8] : memref<640000xi32, #tpu.memory_space<hbm>> -> memref<16xi32, #tpu.memory_space<hbm>>
      tpu.enqueue_dma source(%dma_start3A_123 : memref<16xi32, #tpu.memory_space<hbm>>) target(%arg24 : memref<16xi32, #tpu.memory_space<vmem>>) target_semaphore(%run_scoped3A : memref<!tpu.dma_semaphore, #tpu.memory_space<semaphore_mem>>)
      %dma_wait3A_124 = tpu.memref_slice %arg3[%add3A_8] : memref<640000xi32, #tpu.memory_space<hbm>> -> memref<16xi32, #tpu.memory_space<hbm>>
      %dma_wait3A_125 = tpu.memref_slice %arg3[%add3A_8] : memref<640000xi32, #tpu.memory_space<hbm>> -> memref<16xi32, #tpu.memory_space<hbm>>
      tpu.wait_dma2 semaphore(%run_scoped3A : memref<!tpu.dma_semaphore, #tpu.memory_space<semaphore_mem>>) src(%dma_wait3A_125 : memref<16xi32, #tpu.memory_space<hbm>>) dst(%arg24 : memref<16xi32, #tpu.memory_space<vmem>>)
      tpu.yield
    }) : () -> ()
    %add3A_9 = arith.constant 320000 : i32
    %add3A_10 = arith.addi %add3A_9, %mul3A_2 : i32
    %add3A_11 = arith.constant 0 : i32
    %add3A_12 = arith.addi %add3A_10, %add3A_11 : i32
    %dma_start3A = tpu.memref_slice %arg3[%add3A_12] : memref<640000xi32, #tpu.memory_space<hbm>> -> memref<64xi32, #tpu.memory_space<hbm>>
    %dma_start3A_13 = tpu.memref_slice %arg3[%add3A_12] : memref<640000xi32, #tpu.memory_space<hbm>> -> memref<64xi32, #tpu.memory_space<hbm>>
    tpu.enqueue_dma source(%dma_start3A_13 : memref<64xi32, #tpu.memory_space<hbm>>) target(%arg7 : memref<64xi32, #tpu.memory_space<vmem>>) target_semaphore(%arg19 : memref<!tpu.dma_semaphore, #tpu.memory_space<semaphore_mem>>)
    %dma_start3A_14 = arith.constant 0 : i32
    %dma_start3A_15 = tpu.memref_slice %arg6[%dma_start3A_14] : memref<9984xi32, #tpu.memory_space<vmem>> -> memref<64xi32, #tpu.memory_space<vmem>>
    %dma_start3A_16 = arith.constant 0 : i32
    %dma_start3A_17 = arith.constant 0 : i32
    %dma_start3A_18 = tpu.memref_slice %arg2[%dma_start3A_16, %dma_start3A_17] : memref<10000x128xf32, #tpu.memory_space<hbm>> -> memref<10000x128xf32, #tpu.memory_space<hbm>>
    tpu.enqueue_indirect_dma source(%dma_start3A_18 : memref<10000x128xf32, #tpu.memory_space<hbm>>) target(%arg11 : memref<64x128xf32, #tpu.memory_space<vmem>>) offsets(%dma_start3A_15 : memref<64xi32, #tpu.memory_space<vmem>>) semaphore(%arg15 : memref<!tpu.dma_semaphore, #tpu.memory_space<semaphore_mem>>)
    %add3A_19 = arith.constant 320000 : i32
    %add3A_20 = arith.addi %add3A_19, %mul3A_2 : i32
    %add3A_21 = arith.constant 64 : i32
    %add3A_22 = arith.addi %add3A_20, %add3A_21 : i32
    %dma_start3A_23 = tpu.memref_slice %arg3[%add3A_22] : memref<640000xi32, #tpu.memory_space<hbm>> -> memref<64xi32, #tpu.memory_space<hbm>>
    %dma_start3A_24 = tpu.memref_slice %arg3[%add3A_22] : memref<640000xi32, #tpu.memory_space<hbm>> -> memref<64xi32, #tpu.memory_space<hbm>>
    tpu.enqueue_dma source(%dma_start3A_24 : memref<64xi32, #tpu.memory_space<hbm>>) target(%arg8 : memref<64xi32, #tpu.memory_space<vmem>>) target_semaphore(%arg20 : memref<!tpu.dma_semaphore, #tpu.memory_space<semaphore_mem>>)
    %dma_start3A_25 = arith.constant 64 : i32
    %dma_start3A_26 = tpu.memref_slice %arg6[%dma_start3A_25] : memref<9984xi32, #tpu.memory_space<vmem>> -> memref<64xi32, #tpu.memory_space<vmem>>
    %dma_start3A_27 = arith.constant 0 : i32
    %dma_start3A_28 = arith.constant 0 : i32
    %dma_start3A_29 = tpu.memref_slice %arg2[%dma_start3A_27, %dma_start3A_28] : memref<10000x128xf32, #tpu.memory_space<hbm>> -> memref<10000x128xf32, #tpu.memory_space<hbm>>
    tpu.enqueue_indirect_dma source(%dma_start3A_29 : memref<10000x128xf32, #tpu.memory_space<hbm>>) target(%arg12 : memref<64x128xf32, #tpu.memory_space<vmem>>) offsets(%dma_start3A_26 : memref<64xi32, #tpu.memory_space<vmem>>) semaphore(%arg16 : memref<!tpu.dma_semaphore, #tpu.memory_space<semaphore_mem>>)
    %add3A_30 = arith.constant 320000 : i32
    %add3A_31 = arith.addi %add3A_30, %mul3A_2 : i32
    %add3A_32 = arith.constant 128 : i32
    %add3A_33 = arith.addi %add3A_31, %add3A_32 : i32
    %dma_start3A_34 = tpu.memref_slice %arg3[%add3A_33] : memref<640000xi32, #tpu.memory_space<hbm>> -> memref<64xi32, #tpu.memory_space<hbm>>
    %dma_start3A_35 = tpu.memref_slice %arg3[%add3A_33] : memref<640000xi32, #tpu.memory_space<hbm>> -> memref<64xi32, #tpu.memory_space<hbm>>
    tpu.enqueue_dma source(%dma_start3A_35 : memref<64xi32, #tpu.memory_space<hbm>>) target(%arg9 : memref<64xi32, #tpu.memory_space<vmem>>) target_semaphore(%arg21 : memref<!tpu.dma_semaphore, #tpu.memory_space<semaphore_mem>>)
    %dma_start3A_36 = arith.constant 128 : i32
    %dma_start3A_37 = tpu.memref_slice %arg6[%dma_start3A_36] : memref<9984xi32, #tpu.memory_space<vmem>> -> memref<64xi32, #tpu.memory_space<vmem>>
    %dma_start3A_38 = arith.constant 0 : i32
    %dma_start3A_39 = arith.constant 0 : i32
    %dma_start3A_40 = tpu.memref_slice %arg2[%dma_start3A_38, %dma_start3A_39] : memref<10000x128xf32, #tpu.memory_space<hbm>> -> memref<10000x128xf32, #tpu.memory_space<hbm>>
    tpu.enqueue_indirect_dma source(%dma_start3A_40 : memref<10000x128xf32, #tpu.memory_space<hbm>>) target(%arg13 : memref<64x128xf32, #tpu.memory_space<vmem>>) offsets(%dma_start3A_37 : memref<64xi32, #tpu.memory_space<vmem>>) semaphore(%arg17 : memref<!tpu.dma_semaphore, #tpu.memory_space<semaphore_mem>>)
    %add3A_41 = arith.constant 320000 : i32
    %add3A_42 = arith.addi %add3A_41, %mul3A_2 : i32
    %add3A_43 = arith.constant 192 : i32
    %add3A_44 = arith.addi %add3A_42, %add3A_43 : i32
    %dma_start3A_45 = tpu.memref_slice %arg3[%add3A_44] : memref<640000xi32, #tpu.memory_space<hbm>> -> memref<64xi32, #tpu.memory_space<hbm>>
    %dma_start3A_46 = tpu.memref_slice %arg3[%add3A_44] : memref<640000xi32, #tpu.memory_space<hbm>> -> memref<64xi32, #tpu.memory_space<hbm>>
    tpu.enqueue_dma source(%dma_start3A_46 : memref<64xi32, #tpu.memory_space<hbm>>) target(%arg10 : memref<64xi32, #tpu.memory_space<vmem>>) target_semaphore(%arg22 : memref<!tpu.dma_semaphore, #tpu.memory_space<semaphore_mem>>)
    %dma_start3A_47 = arith.constant 192 : i32
    %dma_start3A_48 = tpu.memref_slice %arg6[%dma_start3A_47] : memref<9984xi32, #tpu.memory_space<vmem>> -> memref<64xi32, #tpu.memory_space<vmem>>
    %dma_start3A_49 = arith.constant 0 : i32
    %dma_start3A_50 = arith.constant 0 : i32
    %dma_start3A_51 = tpu.memref_slice %arg2[%dma_start3A_49, %dma_start3A_50] : memref<10000x128xf32, #tpu.memory_space<hbm>> -> memref<10000x128xf32, #tpu.memory_space<hbm>>
    tpu.enqueue_indirect_dma source(%dma_start3A_51 : memref<10000x128xf32, #tpu.memory_space<hbm>>) target(%arg14 : memref<64x128xf32, #tpu.memory_space<vmem>>) offsets(%dma_start3A_48 : memref<64xi32, #tpu.memory_space<vmem>>) semaphore(%arg18 : memref<!tpu.dma_semaphore, #tpu.memory_space<semaphore_mem>>)
    %dma_start3A_52 = arith.constant 0 : i32
    %dma_start3A_53 = arith.constant 0 : i32
    %dma_start3A_54 = tpu.memref_slice %arg2[%dma_start3A_52, %dma_start3A_53] : memref<10000x128xf32, #tpu.memory_space<hbm>> -> memref<10000x128xf32, #tpu.memory_space<hbm>>
    tpu.enqueue_indirect_dma source(%dma_start3A_54 : memref<10000x128xf32, #tpu.memory_space<hbm>>) target(%arg25 : memref<16x128xf32, #tpu.memory_space<vmem>>) offsets(%arg23 : memref<16xi32, #tpu.memory_space<vmem>>) semaphore(%arg26 : memref<!tpu.dma_semaphore, #tpu.memory_space<semaphore_mem>>)
    %lt3A = arith.constant 15 : i32
    %lt3A_55 = arith.cmpi slt, %arg1, %lt3A : i32
    %convert_element_type3A = arith.extui %lt3A_55 : i1 to i32
    %cond3A = arith.constant 0 : i32
    %cond3A_56 = arith.cmpi ne, %convert_element_type3A, %cond3A : i32
    scf.if %cond3A_56 {
      %mul3A_122 = arith.constant 624 : i32
      %mul3A_123 = arith.muli %arg1, %mul3A_122 : i32
      "tpu.region"() ({
        %run_scoped3A = tpu.sem_alloc : memref<!tpu.dma_semaphore, #tpu.memory_space<semaphore_mem>>
        %dma_start3A_124 = arith.constant 0 : i32
        %dma_start3A_125 = tpu.memref_slice %arg27[%mul3A_123, %dma_start3A_124] : memref<10000x128xf32, #tpu.memory_space<vmem_shared>> -> memref<624x128xf32, #tpu.memory_space<vmem_shared>>
        %dma_start3A_126 = arith.constant 0 : i32
        %dma_start3A_127 = arith.constant 0 : i32
        %dma_start3A_128 = tpu.memref_slice %arg4[%dma_start3A_126, %dma_start3A_127] : memref<640x128xf32, #tpu.memory_space<hbm>> -> memref<624x128xf32, #tpu.memory_space<hbm>>
        tpu.enqueue_dma source(%dma_start3A_128 : memref<624x128xf32, #tpu.memory_space<hbm>>) target(%dma_start3A_125 : memref<624x128xf32, #tpu.memory_space<vmem_shared>>) target_semaphore(%run_scoped3A : memref<!tpu.dma_semaphore, #tpu.memory_space<semaphore_mem>>)
        %dma_wait3A_129 = arith.constant 0 : i32
        %dma_wait3A_130 = tpu.memref_slice %arg27[%mul3A_123, %dma_wait3A_129] : memref<10000x128xf32, #tpu.memory_space<vmem_shared>> -> memref<624x128xf32, #tpu.memory_space<vmem_shared>>
        %dma_wait3A_131 = arith.constant 0 : i32
        %dma_wait3A_132 = arith.constant 0 : i32
        %dma_wait3A_133 = tpu.memref_slice %arg4[%dma_wait3A_131, %dma_wait3A_132] : memref<640x128xf32, #tpu.memory_space<hbm>> -> memref<624x128xf32, #tpu.memory_space<hbm>>
        tpu.wait_dma2 semaphore(%run_scoped3A : memref<!tpu.dma_semaphore, #tpu.memory_space<semaphore_mem>>) src(%dma_wait3A_133 : memref<624x128xf32, #tpu.memory_space<hbm>>) dst(%dma_wait3A_130 : memref<624x128xf32, #tpu.memory_space<vmem_shared>>)
        tpu.yield
      }) : () -> ()
    } else {
    }
    %eq3A = arith.constant 15 : i32
    %eq3A_57 = arith.cmpi eq, %arg1, %eq3A : i32
    %convert_element_type3A_58 = arith.extui %eq3A_57 : i1 to i32
    %cond3A_59 = arith.constant 0 : i32
    %cond3A_60 = arith.cmpi ne, %convert_element_type3A_58, %cond3A_59 : i32
    scf.if %cond3A_60 {
      "tpu.region"() ({
        %run_scoped3A = tpu.sem_alloc : memref<!tpu.dma_semaphore, #tpu.memory_space<semaphore_mem>>
        %dma_start3A_122 = arith.constant 9360 : i32
        %dma_start3A_123 = arith.constant 0 : i32
        %dma_start3A_124 = tpu.memref_slice %arg27[%dma_start3A_122, %dma_start3A_123] : memref<10000x128xf32, #tpu.memory_space<vmem_shared>> -> memref<640x128xf32, #tpu.memory_space<vmem_shared>>
        tpu.enqueue_dma source(%arg4 : memref<640x128xf32, #tpu.memory_space<hbm>>) target(%dma_start3A_124 : memref<640x128xf32, #tpu.memory_space<vmem_shared>>) target_semaphore(%run_scoped3A : memref<!tpu.dma_semaphore, #tpu.memory_space<semaphore_mem>>)
        %dma_wait3A_125 = arith.constant 9360 : i32
        %dma_wait3A_126 = arith.constant 0 : i32
        %dma_wait3A_127 = tpu.memref_slice %arg27[%dma_wait3A_125, %dma_wait3A_126] : memref<10000x128xf32, #tpu.memory_space<vmem_shared>> -> memref<640x128xf32, #tpu.memory_space<vmem_shared>>
        tpu.wait_dma2 semaphore(%run_scoped3A : memref<!tpu.dma_semaphore, #tpu.memory_space<semaphore_mem>>) src(%arg4 : memref<640x128xf32, #tpu.memory_space<hbm>>) dst(%dma_wait3A_127 : memref<640x128xf32, #tpu.memory_space<vmem_shared>>)
        tpu.yield
      }) : () -> ()
    } else {
    }
    %barrier3A = arith.constant 0 : index
    tpu.barrier barrier_id(%barrier3A)
    %scan3A = arith.constant 0 : i32
    %scan3A_61 = arith.constant 38 : i32
    %scan3A_62 = arith.addi %scan3A, %scan3A_61 : i32
    %scan3A_63 = arith.constant 1 : i32
    scf.for %scan3A_122 = %scan3A to %scan3A_62 step %scan3A_63  : i32 {
      %mul3A_123 = arith.constant 1 : i32
      %mul3A_124 = arith.muli %scan3A_122, %mul3A_123 : i32
      %add3A_125 = arith.constant 0 : i32
      %add3A_126 = arith.addi %add3A_125, %mul3A_124 : i32
      %mul3A_127 = arith.constant 4 : i32
      %mul3A_128 = arith.muli %add3A_126, %mul3A_127 : i32
      %add3A_129 = arith.constant 0 : i32
      %add3A_130 = arith.addi %mul3A_128, %add3A_129 : i32
      %add3A_131 = arith.constant 320000 : i32
      %add3A_132 = arith.addi %add3A_131, %mul3A_2 : i32
      %mul3A_133 = arith.constant 64 : i32
      %mul3A_134 = arith.muli %add3A_130, %mul3A_133 : i32
      %add3A_135 = arith.addi %add3A_132, %mul3A_134 : i32
      %dma_wait3A_136 = tpu.memref_slice %arg3[%add3A_135] : memref<640000xi32, #tpu.memory_space<hbm>> -> memref<64xi32, #tpu.memory_space<hbm>>
      %dma_wait3A_137 = tpu.memref_slice %arg3[%add3A_135] : memref<640000xi32, #tpu.memory_space<hbm>> -> memref<64xi32, #tpu.memory_space<hbm>>
      tpu.wait_dma2 semaphore(%arg19 : memref<!tpu.dma_semaphore, #tpu.memory_space<semaphore_mem>>) src(%dma_wait3A_137 : memref<64xi32, #tpu.memory_space<hbm>>) dst(%arg7 : memref<64xi32, #tpu.memory_space<vmem>>)
      %mul3A_138 = arith.constant 64 : i32
      %mul3A_139 = arith.muli %add3A_130, %mul3A_138 : i32
      %dma_wait3A_140 = tpu.memref_slice %arg6[%mul3A_139] : memref<9984xi32, #tpu.memory_space<vmem>> -> memref<64xi32, #tpu.memory_space<vmem>>
      %dma_wait3A_141 = arith.constant 0 : i32
      %dma_wait3A_142 = arith.constant 0 : i32
      %dma_wait3A_143 = tpu.memref_slice %arg2[%dma_wait3A_141, %dma_wait3A_142] : memref<10000x128xf32, #tpu.memory_space<hbm>> -> memref<10000x128xf32, #tpu.memory_space<hbm>>
      tpu.wait_indirect_dma semaphore(%arg15 : memref<!tpu.dma_semaphore, #tpu.memory_space<semaphore_mem>>) src(%dma_wait3A_143 : memref<10000x128xf32, #tpu.memory_space<hbm>>) dst(%arg11 : memref<64x128xf32, #tpu.memory_space<vmem>>)
      "tpu.region"() ({
        %run_scoped3A = tpu.sem_alloc : memref<!tpu.dma_semaphore, #tpu.memory_space<semaphore_mem>>
        %dma_start3A_257 = arith.constant 0 : i32
        %dma_start3A_258 = arith.constant 0 : i32
        %dma_start3A_259 = tpu.memref_slice %arg27[%dma_start3A_257, %dma_start3A_258] : memref<10000x128xf32, #tpu.memory_space<vmem_shared>> -> memref<10000x128xf32, #tpu.memory_space<vmem_shared>>
        tpu.enqueue_indirect_dma source(%arg11 : memref<64x128xf32, #tpu.memory_space<vmem>>) target(%dma_start3A_259 : memref<10000x128xf32, #tpu.memory_space<vmem_shared>>) offsets(%arg7 : memref<64xi32, #tpu.memory_space<vmem>>) semaphore(%run_scoped3A : memref<!tpu.dma_semaphore, #tpu.memory_space<semaphore_mem>>) {add = true}
        %dma_wait3A_260 = arith.constant 0 : i32
        %dma_wait3A_261 = arith.constant 0 : i32
        %dma_wait3A_262 = tpu.memref_slice %arg27[%dma_wait3A_260, %dma_wait3A_261] : memref<10000x128xf32, #tpu.memory_space<vmem_shared>> -> memref<10000x128xf32, #tpu.memory_space<vmem_shared>>
        tpu.wait_indirect_dma semaphore(%run_scoped3A : memref<!tpu.dma_semaphore, #tpu.memory_space<semaphore_mem>>) src(%arg11 : memref<64x128xf32, #tpu.memory_space<vmem>>) dst(%dma_wait3A_262 : memref<10000x128xf32, #tpu.memory_space<vmem_shared>>)
        tpu.yield
      }) : () -> ()
      %add3A_144 = arith.constant 4 : i32
      %add3A_145 = arith.addi %mul3A_128, %add3A_144 : i32
      %add3A_146 = arith.constant 0 : i32
      %add3A_147 = arith.addi %add3A_145, %add3A_146 : i32
      %add3A_148 = arith.constant 320000 : i32
      %add3A_149 = arith.addi %add3A_148, %mul3A_2 : i32
      %mul3A_150 = arith.constant 64 : i32
      %mul3A_151 = arith.muli %add3A_147, %mul3A_150 : i32
      %add3A_152 = arith.addi %add3A_149, %mul3A_151 : i32
      %dma_start3A_153 = tpu.memref_slice %arg3[%add3A_152] : memref<640000xi32, #tpu.memory_space<hbm>> -> memref<64xi32, #tpu.memory_space<hbm>>
      %dma_start3A_154 = tpu.memref_slice %arg3[%add3A_152] : memref<640000xi32, #tpu.memory_space<hbm>> -> memref<64xi32, #tpu.memory_space<hbm>>
      tpu.enqueue_dma source(%dma_start3A_154 : memref<64xi32, #tpu.memory_space<hbm>>) target(%arg7 : memref<64xi32, #tpu.memory_space<vmem>>) target_semaphore(%arg19 : memref<!tpu.dma_semaphore, #tpu.memory_space<semaphore_mem>>)
      %mul3A_155 = arith.constant 64 : i32
      %mul3A_156 = arith.muli %add3A_147, %mul3A_155 : i32
      %dma_start3A_157 = tpu.memref_slice %arg6[%mul3A_156] : memref<9984xi32, #tpu.memory_space<vmem>> -> memref<64xi32, #tpu.memory_space<vmem>>
      %dma_start3A_158 = arith.constant 0 : i32
      %dma_start3A_159 = arith.constant 0 : i32
      %dma_start3A_160 = tpu.memref_slice %arg2[%dma_start3A_158, %dma_start3A_159] : memref<10000x128xf32, #tpu.memory_space<hbm>> -> memref<10000x128xf32, #tpu.memory_space<hbm>>
      tpu.enqueue_indirect_dma source(%dma_start3A_160 : memref<10000x128xf32, #tpu.memory_space<hbm>>) target(%arg11 : memref<64x128xf32, #tpu.memory_space<vmem>>) offsets(%dma_start3A_157 : memref<64xi32, #tpu.memory_space<vmem>>) semaphore(%arg15 : memref<!tpu.dma_semaphore, #tpu.memory_space<semaphore_mem>>)
      %add3A_161 = arith.constant 1 : i32
      %add3A_162 = arith.addi %mul3A_128, %add3A_161 : i32
      %add3A_163 = arith.constant 320000 : i32
      %add3A_164 = arith.addi %add3A_163, %mul3A_2 : i32
      %mul3A_165 = arith.constant 64 : i32
      %mul3A_166 = arith.muli %add3A_162, %mul3A_165 : i32
      %add3A_167 = arith.addi %add3A_164, %mul3A_166 : i32
      %dma_wait3A_168 = tpu.memref_slice %arg3[%add3A_167] : memref<640000xi32, #tpu.memory_space<hbm>> -> memref<64xi32, #tpu.memory_space<hbm>>
      %dma_wait3A_169 = tpu.memref_slice %arg3[%add3A_167] : memref<640000xi32, #tpu.memory_space<hbm>> -> memref<64xi32, #tpu.memory_space<hbm>>
      tpu.wait_dma2 semaphore(%arg20 : memref<!tpu.dma_semaphore, #tpu.memory_space<semaphore_mem>>) src(%dma_wait3A_169 : memref<64xi32, #tpu.memory_space<hbm>>) dst(%arg8 : memref<64xi32, #tpu.memory_space<vmem>>)
      %mul3A_170 = arith.constant 64 : i32
      %mul3A_171 = arith.muli %add3A_162, %mul3A_170 : i32
      %dma_wait3A_172 = tpu.memref_slice %arg6[%mul3A_171] : memref<9984xi32, #tpu.memory_space<vmem>> -> memref<64xi32, #tpu.memory_space<vmem>>
      %dma_wait3A_173 = arith.constant 0 : i32
      %dma_wait3A_174 = arith.constant 0 : i32
      %dma_wait3A_175 = tpu.memref_slice %arg2[%dma_wait3A_173, %dma_wait3A_174] : memref<10000x128xf32, #tpu.memory_space<hbm>> -> memref<10000x128xf32, #tpu.memory_space<hbm>>
      tpu.wait_indirect_dma semaphore(%arg16 : memref<!tpu.dma_semaphore, #tpu.memory_space<semaphore_mem>>) src(%dma_wait3A_175 : memref<10000x128xf32, #tpu.memory_space<hbm>>) dst(%arg12 : memref<64x128xf32, #tpu.memory_space<vmem>>)
      "tpu.region"() ({
        %run_scoped3A = tpu.sem_alloc : memref<!tpu.dma_semaphore, #tpu.memory_space<semaphore_mem>>
        %dma_start3A_257 = arith.constant 0 : i32
        %dma_start3A_258 = arith.constant 0 : i32
        %dma_start3A_259 = tpu.memref_slice %arg27[%dma_start3A_257, %dma_start3A_258] : memref<10000x128xf32, #tpu.memory_space<vmem_shared>> -> memref<10000x128xf32, #tpu.memory_space<vmem_shared>>
        tpu.enqueue_indirect_dma source(%arg12 : memref<64x128xf32, #tpu.memory_space<vmem>>) target(%dma_start3A_259 : memref<10000x128xf32, #tpu.memory_space<vmem_shared>>) offsets(%arg8 : memref<64xi32, #tpu.memory_space<vmem>>) semaphore(%run_scoped3A : memref<!tpu.dma_semaphore, #tpu.memory_space<semaphore_mem>>) {add = true}
        %dma_wait3A_260 = arith.constant 0 : i32
        %dma_wait3A_261 = arith.constant 0 : i32
        %dma_wait3A_262 = tpu.memref_slice %arg27[%dma_wait3A_260, %dma_wait3A_261] : memref<10000x128xf32, #tpu.memory_space<vmem_shared>> -> memref<10000x128xf32, #tpu.memory_space<vmem_shared>>
        tpu.wait_indirect_dma semaphore(%run_scoped3A : memref<!tpu.dma_semaphore, #tpu.memory_space<semaphore_mem>>) src(%arg12 : memref<64x128xf32, #tpu.memory_space<vmem>>) dst(%dma_wait3A_262 : memref<10000x128xf32, #tpu.memory_space<vmem_shared>>)
        tpu.yield
      }) : () -> ()
      %add3A_176 = arith.constant 4 : i32
      %add3A_177 = arith.addi %mul3A_128, %add3A_176 : i32
      %add3A_178 = arith.constant 1 : i32
      %add3A_179 = arith.addi %add3A_177, %add3A_178 : i32
      %add3A_180 = arith.constant 320000 : i32
      %add3A_181 = arith.addi %add3A_180, %mul3A_2 : i32
      %mul3A_182 = arith.constant 64 : i32
      %mul3A_183 = arith.muli %add3A_179, %mul3A_182 : i32
      %add3A_184 = arith.addi %add3A_181, %mul3A_183 : i32
      %dma_start3A_185 = tpu.memref_slice %arg3[%add3A_184] : memref<640000xi32, #tpu.memory_space<hbm>> -> memref<64xi32, #tpu.memory_space<hbm>>
      %dma_start3A_186 = tpu.memref_slice %arg3[%add3A_184] : memref<640000xi32, #tpu.memory_space<hbm>> -> memref<64xi32, #tpu.memory_space<hbm>>
      tpu.enqueue_dma source(%dma_start3A_186 : memref<64xi32, #tpu.memory_space<hbm>>) target(%arg8 : memref<64xi32, #tpu.memory_space<vmem>>) target_semaphore(%arg20 : memref<!tpu.dma_semaphore, #tpu.memory_space<semaphore_mem>>)
      %mul3A_187 = arith.constant 64 : i32
      %mul3A_188 = arith.muli %add3A_179, %mul3A_187 : i32
      %dma_start3A_189 = tpu.memref_slice %arg6[%mul3A_188] : memref<9984xi32, #tpu.memory_space<vmem>> -> memref<64xi32, #tpu.memory_space<vmem>>
      %dma_start3A_190 = arith.constant 0 : i32
      %dma_start3A_191 = arith.constant 0 : i32
      %dma_start3A_192 = tpu.memref_slice %arg2[%dma_start3A_190, %dma_start3A_191] : memref<10000x128xf32, #tpu.memory_space<hbm>> -> memref<10000x128xf32, #tpu.memory_space<hbm>>
      tpu.enqueue_indirect_dma source(%dma_start3A_192 : memref<10000x128xf32, #tpu.memory_space<hbm>>) target(%arg12 : memref<64x128xf32, #tpu.memory_space<vmem>>) offsets(%dma_start3A_189 : memref<64xi32, #tpu.memory_space<vmem>>) semaphore(%arg16 : memref<!tpu.dma_semaphore, #tpu.memory_space<semaphore_mem>>)
      %add3A_193 = arith.constant 2 : i32
      %add3A_194 = arith.addi %mul3A_128, %add3A_193 : i32
      %add3A_195 = arith.constant 320000 : i32
      %add3A_196 = arith.addi %add3A_195, %mul3A_2 : i32
      %mul3A_197 = arith.constant 64 : i32
      %mul3A_198 = arith.muli %add3A_194, %mul3A_197 : i32
      %add3A_199 = arith.addi %add3A_196, %mul3A_198 : i32
      %dma_wait3A_200 = tpu.memref_slice %arg3[%add3A_199] : memref<640000xi32, #tpu.memory_space<hbm>> -> memref<64xi32, #tpu.memory_space<hbm>>
      %dma_wait3A_201 = tpu.memref_slice %arg3[%add3A_199] : memref<640000xi32, #tpu.memory_space<hbm>> -> memref<64xi32, #tpu.memory_space<hbm>>
      tpu.wait_dma2 semaphore(%arg21 : memref<!tpu.dma_semaphore, #tpu.memory_space<semaphore_mem>>) src(%dma_wait3A_201 : memref<64xi32, #tpu.memory_space<hbm>>) dst(%arg9 : memref<64xi32, #tpu.memory_space<vmem>>)
      %mul3A_202 = arith.constant 64 : i32
      %mul3A_203 = arith.muli %add3A_194, %mul3A_202 : i32
      %dma_wait3A_204 = tpu.memref_slice %arg6[%mul3A_203] : memref<9984xi32, #tpu.memory_space<vmem>> -> memref<64xi32, #tpu.memory_space<vmem>>
      %dma_wait3A_205 = arith.constant 0 : i32
      %dma_wait3A_206 = arith.constant 0 : i32
      %dma_wait3A_207 = tpu.memref_slice %arg2[%dma_wait3A_205, %dma_wait3A_206] : memref<10000x128xf32, #tpu.memory_space<hbm>> -> memref<10000x128xf32, #tpu.memory_space<hbm>>
      tpu.wait_indirect_dma semaphore(%arg17 : memref<!tpu.dma_semaphore, #tpu.memory_space<semaphore_mem>>) src(%dma_wait3A_207 : memref<10000x128xf32, #tpu.memory_space<hbm>>) dst(%arg13 : memref<64x128xf32, #tpu.memory_space<vmem>>)
      "tpu.region"() ({
        %run_scoped3A = tpu.sem_alloc : memref<!tpu.dma_semaphore, #tpu.memory_space<semaphore_mem>>
        %dma_start3A_257 = arith.constant 0 : i32
        %dma_start3A_258 = arith.constant 0 : i32
        %dma_start3A_259 = tpu.memref_slice %arg27[%dma_start3A_257, %dma_start3A_258] : memref<10000x128xf32, #tpu.memory_space<vmem_shared>> -> memref<10000x128xf32, #tpu.memory_space<vmem_shared>>
        tpu.enqueue_indirect_dma source(%arg13 : memref<64x128xf32, #tpu.memory_space<vmem>>) target(%dma_start3A_259 : memref<10000x128xf32, #tpu.memory_space<vmem_shared>>) offsets(%arg9 : memref<64xi32, #tpu.memory_space<vmem>>) semaphore(%run_scoped3A : memref<!tpu.dma_semaphore, #tpu.memory_space<semaphore_mem>>) {add = true}
        %dma_wait3A_260 = arith.constant 0 : i32
        %dma_wait3A_261 = arith.constant 0 : i32
        %dma_wait3A_262 = tpu.memref_slice %arg27[%dma_wait3A_260, %dma_wait3A_261] : memref<10000x128xf32, #tpu.memory_space<vmem_shared>> -> memref<10000x128xf32, #tpu.memory_space<vmem_shared>>
        tpu.wait_indirect_dma semaphore(%run_scoped3A : memref<!tpu.dma_semaphore, #tpu.memory_space<semaphore_mem>>) src(%arg13 : memref<64x128xf32, #tpu.memory_space<vmem>>) dst(%dma_wait3A_262 : memref<10000x128xf32, #tpu.memory_space<vmem_shared>>)
        tpu.yield
      }) : () -> ()
      %add3A_208 = arith.constant 4 : i32
      %add3A_209 = arith.addi %mul3A_128, %add3A_208 : i32
      %add3A_210 = arith.constant 2 : i32
      %add3A_211 = arith.addi %add3A_209, %add3A_210 : i32
      %add3A_212 = arith.constant 320000 : i32
      %add3A_213 = arith.addi %add3A_212, %mul3A_2 : i32
      %mul3A_214 = arith.constant 64 : i32
      %mul3A_215 = arith.muli %add3A_211, %mul3A_214 : i32
      %add3A_216 = arith.addi %add3A_213, %mul3A_215 : i32
      %dma_start3A_217 = tpu.memref_slice %arg3[%add3A_216] : memref<640000xi32, #tpu.memory_space<hbm>> -> memref<64xi32, #tpu.memory_space<hbm>>
      %dma_start3A_218 = tpu.memref_slice %arg3[%add3A_216] : memref<640000xi32, #tpu.memory_space<hbm>> -> memref<64xi32, #tpu.memory_space<hbm>>
      tpu.enqueue_dma source(%dma_start3A_218 : memref<64xi32, #tpu.memory_space<hbm>>) target(%arg9 : memref<64xi32, #tpu.memory_space<vmem>>) target_semaphore(%arg21 : memref<!tpu.dma_semaphore, #tpu.memory_space<semaphore_mem>>)
      %mul3A_219 = arith.constant 64 : i32
      %mul3A_220 = arith.muli %add3A_211, %mul3A_219 : i32
      %dma_start3A_221 = tpu.memref_slice %arg6[%mul3A_220] : memref<9984xi32, #tpu.memory_space<vmem>> -> memref<64xi32, #tpu.memory_space<vmem>>
      %dma_start3A_222 = arith.constant 0 : i32
      %dma_start3A_223 = arith.constant 0 : i32
      %dma_start3A_224 = tpu.memref_slice %arg2[%dma_start3A_222, %dma_start3A_223] : memref<10000x128xf32, #tpu.memory_space<hbm>> -> memref<10000x128xf32, #tpu.memory_space<hbm>>
      tpu.enqueue_indirect_dma source(%dma_start3A_224 : memref<10000x128xf32, #tpu.memory_space<hbm>>) target(%arg13 : memref<64x128xf32, #tpu.memory_space<vmem>>) offsets(%dma_start3A_221 : memref<64xi32, #tpu.memory_space<vmem>>) semaphore(%arg17 : memref<!tpu.dma_semaphore, #tpu.memory_space<semaphore_mem>>)
      %add3A_225 = arith.constant 3 : i32
      %add3A_226 = arith.addi %mul3A_128, %add3A_225 : i32
      %add3A_227 = arith.constant 320000 : i32
      %add3A_228 = arith.addi %add3A_227, %mul3A_2 : i32
      %mul3A_229 = arith.constant 64 : i32
      %mul3A_230 = arith.muli %add3A_226, %mul3A_229 : i32
      %add3A_231 = arith.addi %add3A_228, %mul3A_230 : i32
      %dma_wait3A_232 = tpu.memref_slice %arg3[%add3A_231] : memref<640000xi32, #tpu.memory_space<hbm>> -> memref<64xi32, #tpu.memory_space<hbm>>
      %dma_wait3A_233 = tpu.memref_slice %arg3[%add3A_231] : memref<640000xi32, #tpu.memory_space<hbm>> -> memref<64xi32, #tpu.memory_space<hbm>>
      tpu.wait_dma2 semaphore(%arg22 : memref<!tpu.dma_semaphore, #tpu.memory_space<semaphore_mem>>) src(%dma_wait3A_233 : memref<64xi32, #tpu.memory_space<hbm>>) dst(%arg10 : memref<64xi32, #tpu.memory_space<vmem>>)
      %mul3A_234 = arith.constant 64 : i32
      %mul3A_235 = arith.muli %add3A_226, %mul3A_234 : i32
      %dma_wait3A_236 = tpu.memref_slice %arg6[%mul3A_235] : memref<9984xi32, #tpu.memory_space<vmem>> -> memref<64xi32, #tpu.memory_space<vmem>>
      %dma_wait3A_237 = arith.constant 0 : i32
      %dma_wait3A_238 = arith.constant 0 : i32
      %dma_wait3A_239 = tpu.memref_slice %arg2[%dma_wait3A_237, %dma_wait3A_238] : memref<10000x128xf32, #tpu.memory_space<hbm>> -> memref<10000x128xf32, #tpu.memory_space<hbm>>
      tpu.wait_indirect_dma semaphore(%arg18 : memref<!tpu.dma_semaphore, #tpu.memory_space<semaphore_mem>>) src(%dma_wait3A_239 : memref<10000x128xf32, #tpu.memory_space<hbm>>) dst(%arg14 : memref<64x128xf32, #tpu.memory_space<vmem>>)
      "tpu.region"() ({
        %run_scoped3A = tpu.sem_alloc : memref<!tpu.dma_semaphore, #tpu.memory_space<semaphore_mem>>
        %dma_start3A_257 = arith.constant 0 : i32
        %dma_start3A_258 = arith.constant 0 : i32
        %dma_start3A_259 = tpu.memref_slice %arg27[%dma_start3A_257, %dma_start3A_258] : memref<10000x128xf32, #tpu.memory_space<vmem_shared>> -> memref<10000x128xf32, #tpu.memory_space<vmem_shared>>
        tpu.enqueue_indirect_dma source(%arg14 : memref<64x128xf32, #tpu.memory_space<vmem>>) target(%dma_start3A_259 : memref<10000x128xf32, #tpu.memory_space<vmem_shared>>) offsets(%arg10 : memref<64xi32, #tpu.memory_space<vmem>>) semaphore(%run_scoped3A : memref<!tpu.dma_semaphore, #tpu.memory_space<semaphore_mem>>) {add = true}
        %dma_wait3A_260 = arith.constant 0 : i32
        %dma_wait3A_261 = arith.constant 0 : i32
        %dma_wait3A_262 = tpu.memref_slice %arg27[%dma_wait3A_260, %dma_wait3A_261] : memref<10000x128xf32, #tpu.memory_space<vmem_shared>> -> memref<10000x128xf32, #tpu.memory_space<vmem_shared>>
        tpu.wait_indirect_dma semaphore(%run_scoped3A : memref<!tpu.dma_semaphore, #tpu.memory_space<semaphore_mem>>) src(%arg14 : memref<64x128xf32, #tpu.memory_space<vmem>>) dst(%dma_wait3A_262 : memref<10000x128xf32, #tpu.memory_space<vmem_shared>>)
        tpu.yield
      }) : () -> ()
      %add3A_240 = arith.constant 4 : i32
      %add3A_241 = arith.addi %mul3A_128, %add3A_240 : i32
      %add3A_242 = arith.constant 3 : i32
      %add3A_243 = arith.addi %add3A_241, %add3A_242 : i32
      %add3A_244 = arith.constant 320000 : i32
      %add3A_245 = arith.addi %add3A_244, %mul3A_2 : i32
      %mul3A_246 = arith.constant 64 : i32
      %mul3A_247 = arith.muli %add3A_243, %mul3A_246 : i32
      %add3A_248 = arith.addi %add3A_245, %mul3A_247 : i32
      %dma_start3A_249 = tpu.memref_slice %arg3[%add3A_248] : memref<640000xi32, #tpu.memory_space<hbm>> -> memref<64xi32, #tpu.memory_space<hbm>>
      %dma_start3A_250 = tpu.memref_slice %arg3[%add3A_248] : memref<640000xi32, #tpu.memory_space<hbm>> -> memref<64xi32, #tpu.memory_space<hbm>>
      tpu.enqueue_dma source(%dma_start3A_250 : memref<64xi32, #tpu.memory_space<hbm>>) target(%arg10 : memref<64xi32, #tpu.memory_space<vmem>>) target_semaphore(%arg22 : memref<!tpu.dma_semaphore, #tpu.memory_space<semaphore_mem>>)
      %mul3A_251 = arith.constant 64 : i32
      %mul3A_252 = arith.muli %add3A_243, %mul3A_251 : i32
      %dma_start3A_253 = tpu.memref_slice %arg6[%mul3A_252] : memref<9984xi32, #tpu.memory_space<vmem>> -> memref<64xi32, #tpu.memory_space<vmem>>
      %dma_start3A_254 = arith.constant 0 : i32
      %dma_start3A_255 = arith.constant 0 : i32
      %dma_start3A_256 = tpu.memref_slice %arg2[%dma_start3A_254, %dma_start3A_255] : memref<10000x128xf32, #tpu.memory_space<hbm>> -> memref<10000x128xf32, #tpu.memory_space<hbm>>
      tpu.enqueue_indirect_dma source(%dma_start3A_256 : memref<10000x128xf32, #tpu.memory_space<hbm>>) target(%arg14 : memref<64x128xf32, #tpu.memory_space<vmem>>) offsets(%dma_start3A_253 : memref<64xi32, #tpu.memory_space<vmem>>) semaphore(%arg18 : memref<!tpu.dma_semaphore, #tpu.memory_space<semaphore_mem>>)
    }
    %scan3A_64 = arith.constant 38 : i32
    %add3A_65 = arith.constant 320000 : i32
    %add3A_66 = arith.addi %add3A_65, %mul3A_2 : i32
    %add3A_67 = arith.constant 9728 : i32
    %add3A_68 = arith.addi %add3A_66, %add3A_67 : i32
    %dma_wait3A = tpu.memref_slice %arg3[%add3A_68] : memref<640000xi32, #tpu.memory_space<hbm>> -> memref<64xi32, #tpu.memory_space<hbm>>
    %dma_wait3A_69 = tpu.memref_slice %arg3[%add3A_68] : memref<640000xi32, #tpu.memory_space<hbm>> -> memref<64xi32, #tpu.memory_space<hbm>>
    tpu.wait_dma2 semaphore(%arg19 : memref<!tpu.dma_semaphore, #tpu.memory_space<semaphore_mem>>) src(%dma_wait3A_69 : memref<64xi32, #tpu.memory_space<hbm>>) dst(%arg7 : memref<64xi32, #tpu.memory_space<vmem>>)
    %dma_wait3A_70 = arith.constant 9728 : i32
    %dma_wait3A_71 = tpu.memref_slice %arg6[%dma_wait3A_70] : memref<9984xi32, #tpu.memory_space<vmem>> -> memref<64xi32, #tpu.memory_space<vmem>>
    %dma_wait3A_72 = arith.constant 0 : i32
    %dma_wait3A_73 = arith.constant 0 : i32
    %dma_wait3A_74 = tpu.memref_slice %arg2[%dma_wait3A_72, %dma_wait3A_73] : memref<10000x128xf32, #tpu.memory_space<hbm>> -> memref<10000x128xf32, #tpu.memory_space<hbm>>
    tpu.wait_indirect_dma semaphore(%arg15 : memref<!tpu.dma_semaphore, #tpu.memory_space<semaphore_mem>>) src(%dma_wait3A_74 : memref<10000x128xf32, #tpu.memory_space<hbm>>) dst(%arg11 : memref<64x128xf32, #tpu.memory_space<vmem>>)
    "tpu.region"() ({
      %run_scoped3A = tpu.sem_alloc : memref<!tpu.dma_semaphore, #tpu.memory_space<semaphore_mem>>
      %dma_start3A_122 = arith.constant 0 : i32
      %dma_start3A_123 = arith.constant 0 : i32
      %dma_start3A_124 = tpu.memref_slice %arg27[%dma_start3A_122, %dma_start3A_123] : memref<10000x128xf32, #tpu.memory_space<vmem_shared>> -> memref<10000x128xf32, #tpu.memory_space<vmem_shared>>
      tpu.enqueue_indirect_dma source(%arg11 : memref<64x128xf32, #tpu.memory_space<vmem>>) target(%dma_start3A_124 : memref<10000x128xf32, #tpu.memory_space<vmem_shared>>) offsets(%arg7 : memref<64xi32, #tpu.memory_space<vmem>>) semaphore(%run_scoped3A : memref<!tpu.dma_semaphore, #tpu.memory_space<semaphore_mem>>) {add = true}
      %dma_wait3A_125 = arith.constant 0 : i32
      %dma_wait3A_126 = arith.constant 0 : i32
      %dma_wait3A_127 = tpu.memref_slice %arg27[%dma_wait3A_125, %dma_wait3A_126] : memref<10000x128xf32, #tpu.memory_space<vmem_shared>> -> memref<10000x128xf32, #tpu.memory_space<vmem_shared>>
      tpu.wait_indirect_dma semaphore(%run_scoped3A : memref<!tpu.dma_semaphore, #tpu.memory_space<semaphore_mem>>) src(%arg11 : memref<64x128xf32, #tpu.memory_space<vmem>>) dst(%dma_wait3A_127 : memref<10000x128xf32, #tpu.memory_space<vmem_shared>>)
      tpu.yield
    }) : () -> ()
    %add3A_75 = arith.constant 320000 : i32
    %add3A_76 = arith.addi %add3A_75, %mul3A_2 : i32
    %add3A_77 = arith.constant 9792 : i32
    %add3A_78 = arith.addi %add3A_76, %add3A_77 : i32
    %dma_wait3A_79 = tpu.memref_slice %arg3[%add3A_78] : memref<640000xi32, #tpu.memory_space<hbm>> -> memref<64xi32, #tpu.memory_space<hbm>>
    %dma_wait3A_80 = tpu.memref_slice %arg3[%add3A_78] : memref<640000xi32, #tpu.memory_space<hbm>> -> memref<64xi32, #tpu.memory_space<hbm>>
    tpu.wait_dma2 semaphore(%arg20 : memref<!tpu.dma_semaphore, #tpu.memory_space<semaphore_mem>>) src(%dma_wait3A_80 : memref<64xi32, #tpu.memory_space<hbm>>) dst(%arg8 : memref<64xi32, #tpu.memory_space<vmem>>)
    %dma_wait3A_81 = arith.constant 9792 : i32
    %dma_wait3A_82 = tpu.memref_slice %arg6[%dma_wait3A_81] : memref<9984xi32, #tpu.memory_space<vmem>> -> memref<64xi32, #tpu.memory_space<vmem>>
    %dma_wait3A_83 = arith.constant 0 : i32
    %dma_wait3A_84 = arith.constant 0 : i32
    %dma_wait3A_85 = tpu.memref_slice %arg2[%dma_wait3A_83, %dma_wait3A_84] : memref<10000x128xf32, #tpu.memory_space<hbm>> -> memref<10000x128xf32, #tpu.memory_space<hbm>>
    tpu.wait_indirect_dma semaphore(%arg16 : memref<!tpu.dma_semaphore, #tpu.memory_space<semaphore_mem>>) src(%dma_wait3A_85 : memref<10000x128xf32, #tpu.memory_space<hbm>>) dst(%arg12 : memref<64x128xf32, #tpu.memory_space<vmem>>)
    "tpu.region"() ({
      %run_scoped3A = tpu.sem_alloc : memref<!tpu.dma_semaphore, #tpu.memory_space<semaphore_mem>>
      %dma_start3A_122 = arith.constant 0 : i32
      %dma_start3A_123 = arith.constant 0 : i32
      %dma_start3A_124 = tpu.memref_slice %arg27[%dma_start3A_122, %dma_start3A_123] : memref<10000x128xf32, #tpu.memory_space<vmem_shared>> -> memref<10000x128xf32, #tpu.memory_space<vmem_shared>>
      tpu.enqueue_indirect_dma source(%arg12 : memref<64x128xf32, #tpu.memory_space<vmem>>) target(%dma_start3A_124 : memref<10000x128xf32, #tpu.memory_space<vmem_shared>>) offsets(%arg8 : memref<64xi32, #tpu.memory_space<vmem>>) semaphore(%run_scoped3A : memref<!tpu.dma_semaphore, #tpu.memory_space<semaphore_mem>>) {add = true}
      %dma_wait3A_125 = arith.constant 0 : i32
      %dma_wait3A_126 = arith.constant 0 : i32
      %dma_wait3A_127 = tpu.memref_slice %arg27[%dma_wait3A_125, %dma_wait3A_126] : memref<10000x128xf32, #tpu.memory_space<vmem_shared>> -> memref<10000x128xf32, #tpu.memory_space<vmem_shared>>
      tpu.wait_indirect_dma semaphore(%run_scoped3A : memref<!tpu.dma_semaphore, #tpu.memory_space<semaphore_mem>>) src(%arg12 : memref<64x128xf32, #tpu.memory_space<vmem>>) dst(%dma_wait3A_127 : memref<10000x128xf32, #tpu.memory_space<vmem_shared>>)
      tpu.yield
    }) : () -> ()
    %add3A_86 = arith.constant 320000 : i32
    %add3A_87 = arith.addi %add3A_86, %mul3A_2 : i32
    %add3A_88 = arith.constant 9856 : i32
    %add3A_89 = arith.addi %add3A_87, %add3A_88 : i32
    %dma_wait3A_90 = tpu.memref_slice %arg3[%add3A_89] : memref<640000xi32, #tpu.memory_space<hbm>> -> memref<64xi32, #tpu.memory_space<hbm>>
    %dma_wait3A_91 = tpu.memref_slice %arg3[%add3A_89] : memref<640000xi32, #tpu.memory_space<hbm>> -> memref<64xi32, #tpu.memory_space<hbm>>
    tpu.wait_dma2 semaphore(%arg21 : memref<!tpu.dma_semaphore, #tpu.memory_space<semaphore_mem>>) src(%dma_wait3A_91 : memref<64xi32, #tpu.memory_space<hbm>>) dst(%arg9 : memref<64xi32, #tpu.memory_space<vmem>>)
    %dma_wait3A_92 = arith.constant 9856 : i32
    %dma_wait3A_93 = tpu.memref_slice %arg6[%dma_wait3A_92] : memref<9984xi32, #tpu.memory_space<vmem>> -> memref<64xi32, #tpu.memory_space<vmem>>
    %dma_wait3A_94 = arith.constant 0 : i32
    %dma_wait3A_95 = arith.constant 0 : i32
    %dma_wait3A_96 = tpu.memref_slice %arg2[%dma_wait3A_94, %dma_wait3A_95] : memref<10000x128xf32, #tpu.memory_space<hbm>> -> memref<10000x128xf32, #tpu.memory_space<hbm>>
    tpu.wait_indirect_dma semaphore(%arg17 : memref<!tpu.dma_semaphore, #tpu.memory_space<semaphore_mem>>) src(%dma_wait3A_96 : memref<10000x128xf32, #tpu.memory_space<hbm>>) dst(%arg13 : memref<64x128xf32, #tpu.memory_space<vmem>>)
    "tpu.region"() ({
      %run_scoped3A = tpu.sem_alloc : memref<!tpu.dma_semaphore, #tpu.memory_space<semaphore_mem>>
      %dma_start3A_122 = arith.constant 0 : i32
      %dma_start3A_123 = arith.constant 0 : i32
      %dma_start3A_124 = tpu.memref_slice %arg27[%dma_start3A_122, %dma_start3A_123] : memref<10000x128xf32, #tpu.memory_space<vmem_shared>> -> memref<10000x128xf32, #tpu.memory_space<vmem_shared>>
      tpu.enqueue_indirect_dma source(%arg13 : memref<64x128xf32, #tpu.memory_space<vmem>>) target(%dma_start3A_124 : memref<10000x128xf32, #tpu.memory_space<vmem_shared>>) offsets(%arg9 : memref<64xi32, #tpu.memory_space<vmem>>) semaphore(%run_scoped3A : memref<!tpu.dma_semaphore, #tpu.memory_space<semaphore_mem>>) {add = true}
      %dma_wait3A_125 = arith.constant 0 : i32
      %dma_wait3A_126 = arith.constant 0 : i32
      %dma_wait3A_127 = tpu.memref_slice %arg27[%dma_wait3A_125, %dma_wait3A_126] : memref<10000x128xf32, #tpu.memory_space<vmem_shared>> -> memref<10000x128xf32, #tpu.memory_space<vmem_shared>>
      tpu.wait_indirect_dma semaphore(%run_scoped3A : memref<!tpu.dma_semaphore, #tpu.memory_space<semaphore_mem>>) src(%arg13 : memref<64x128xf32, #tpu.memory_space<vmem>>) dst(%dma_wait3A_127 : memref<10000x128xf32, #tpu.memory_space<vmem_shared>>)
      tpu.yield
    }) : () -> ()
    %add3A_97 = arith.constant 320000 : i32
    %add3A_98 = arith.addi %add3A_97, %mul3A_2 : i32
    %add3A_99 = arith.constant 9920 : i32
    %add3A_100 = arith.addi %add3A_98, %add3A_99 : i32
    %dma_wait3A_101 = tpu.memref_slice %arg3[%add3A_100] : memref<640000xi32, #tpu.memory_space<hbm>> -> memref<64xi32, #tpu.memory_space<hbm>>
    %dma_wait3A_102 = tpu.memref_slice %arg3[%add3A_100] : memref<640000xi32, #tpu.memory_space<hbm>> -> memref<64xi32, #tpu.memory_space<hbm>>
    tpu.wait_dma2 semaphore(%arg22 : memref<!tpu.dma_semaphore, #tpu.memory_space<semaphore_mem>>) src(%dma_wait3A_102 : memref<64xi32, #tpu.memory_space<hbm>>) dst(%arg10 : memref<64xi32, #tpu.memory_space<vmem>>)
    %dma_wait3A_103 = arith.constant 9920 : i32
    %dma_wait3A_104 = tpu.memref_slice %arg6[%dma_wait3A_103] : memref<9984xi32, #tpu.memory_space<vmem>> -> memref<64xi32, #tpu.memory_space<vmem>>
    %dma_wait3A_105 = arith.constant 0 : i32
    %dma_wait3A_106 = arith.constant 0 : i32
    %dma_wait3A_107 = tpu.memref_slice %arg2[%dma_wait3A_105, %dma_wait3A_106] : memref<10000x128xf32, #tpu.memory_space<hbm>> -> memref<10000x128xf32, #tpu.memory_space<hbm>>
    tpu.wait_indirect_dma semaphore(%arg18 : memref<!tpu.dma_semaphore, #tpu.memory_space<semaphore_mem>>) src(%dma_wait3A_107 : memref<10000x128xf32, #tpu.memory_space<hbm>>) dst(%arg14 : memref<64x128xf32, #tpu.memory_space<vmem>>)
    "tpu.region"() ({
      %run_scoped3A = tpu.sem_alloc : memref<!tpu.dma_semaphore, #tpu.memory_space<semaphore_mem>>
      %dma_start3A_122 = arith.constant 0 : i32
      %dma_start3A_123 = arith.constant 0 : i32
      %dma_start3A_124 = tpu.memref_slice %arg27[%dma_start3A_122, %dma_start3A_123] : memref<10000x128xf32, #tpu.memory_space<vmem_shared>> -> memref<10000x128xf32, #tpu.memory_space<vmem_shared>>
      tpu.enqueue_indirect_dma source(%arg14 : memref<64x128xf32, #tpu.memory_space<vmem>>) target(%dma_start3A_124 : memref<10000x128xf32, #tpu.memory_space<vmem_shared>>) offsets(%arg10 : memref<64xi32, #tpu.memory_space<vmem>>) semaphore(%run_scoped3A : memref<!tpu.dma_semaphore, #tpu.memory_space<semaphore_mem>>) {add = true}
      %dma_wait3A_125 = arith.constant 0 : i32
      %dma_wait3A_126 = arith.constant 0 : i32
      %dma_wait3A_127 = tpu.memref_slice %arg27[%dma_wait3A_125, %dma_wait3A_126] : memref<10000x128xf32, #tpu.memory_space<vmem_shared>> -> memref<10000x128xf32, #tpu.memory_space<vmem_shared>>
      tpu.wait_indirect_dma semaphore(%run_scoped3A : memref<!tpu.dma_semaphore, #tpu.memory_space<semaphore_mem>>) src(%arg14 : memref<64x128xf32, #tpu.memory_space<vmem>>) dst(%dma_wait3A_127 : memref<10000x128xf32, #tpu.memory_space<vmem_shared>>)
      tpu.yield
    }) : () -> ()
    %dma_wait3A_108 = arith.constant 0 : i32
    %dma_wait3A_109 = arith.constant 0 : i32
    %dma_wait3A_110 = tpu.memref_slice %arg2[%dma_wait3A_108, %dma_wait3A_109] : memref<10000x128xf32, #tpu.memory_space<hbm>> -> memref<10000x128xf32, #tpu.memory_space<hbm>>
    tpu.wait_indirect_dma semaphore(%arg26 : memref<!tpu.dma_semaphore, #tpu.memory_space<semaphore_mem>>) src(%dma_wait3A_110 : memref<10000x128xf32, #tpu.memory_space<hbm>>) dst(%arg25 : memref<16x128xf32, #tpu.memory_space<vmem>>)
    "tpu.region"() ({
      %run_scoped3A = tpu.sem_alloc : memref<!tpu.dma_semaphore, #tpu.memory_space<semaphore_mem>>
      %dma_start3A_122 = arith.constant 0 : i32
      %dma_start3A_123 = arith.constant 0 : i32
      %dma_start3A_124 = tpu.memref_slice %arg27[%dma_start3A_122, %dma_start3A_123] : memref<10000x128xf32, #tpu.memory_space<vmem_shared>> -> memref<10000x128xf32, #tpu.memory_space<vmem_shared>>
      tpu.enqueue_indirect_dma source(%arg25 : memref<16x128xf32, #tpu.memory_space<vmem>>) target(%dma_start3A_124 : memref<10000x128xf32, #tpu.memory_space<vmem_shared>>) offsets(%arg24 : memref<16xi32, #tpu.memory_space<vmem>>) semaphore(%run_scoped3A : memref<!tpu.dma_semaphore, #tpu.memory_space<semaphore_mem>>) {add = true}
      %dma_wait3A_125 = arith.constant 0 : i32
      %dma_wait3A_126 = arith.constant 0 : i32
      %dma_wait3A_127 = tpu.memref_slice %arg27[%dma_wait3A_125, %dma_wait3A_126] : memref<10000x128xf32, #tpu.memory_space<vmem_shared>> -> memref<10000x128xf32, #tpu.memory_space<vmem_shared>>
      tpu.wait_indirect_dma semaphore(%run_scoped3A : memref<!tpu.dma_semaphore, #tpu.memory_space<semaphore_mem>>) src(%arg25 : memref<16x128xf32, #tpu.memory_space<vmem>>) dst(%dma_wait3A_127 : memref<10000x128xf32, #tpu.memory_space<vmem_shared>>)
      tpu.yield
    }) : () -> ()
    %barrier3A_111 = arith.constant 0 : index
    tpu.barrier barrier_id(%barrier3A_111)
    %lt3A_112 = arith.constant 15 : i32
    %lt3A_113 = arith.cmpi slt, %arg1, %lt3A_112 : i32
    %convert_element_type3A_114 = arith.extui %lt3A_113 : i1 to i32
    %cond3A_115 = arith.constant 0 : i32
    %cond3A_116 = arith.cmpi ne, %convert_element_type3A_114, %cond3A_115 : i32
    scf.if %cond3A_116 {
      %mul3A_122 = arith.constant 624 : i32
      %mul3A_123 = arith.muli %arg1, %mul3A_122 : i32
      %mul3A_124 = arith.constant 624 : i32
      %mul3A_125 = arith.muli %arg1, %mul3A_124 : i32
      "tpu.region"() ({
        %run_scoped3A = tpu.sem_alloc : memref<!tpu.dma_semaphore, #tpu.memory_space<semaphore_mem>>
        %dma_start3A_126 = arith.constant 0 : i32
        %dma_start3A_127 = tpu.memref_slice %arg5[%arg0, %mul3A_125, %dma_start3A_126] : memref<2x10000x128xf32, #tpu.memory_space<hbm>> -> memref<1x624x128xf32, #tpu.memory_space<hbm>>
        %dma_start3A_128 = tpu.memref_squeeze %dma_start3A_127 : memref<1x624x128xf32, #tpu.memory_space<hbm>> -> memref<624x128xf32, #tpu.memory_space<hbm>>
        %dma_start3A_129 = arith.constant 0 : i32
        %dma_start3A_130 = tpu.memref_slice %arg27[%mul3A_123, %dma_start3A_129] : memref<10000x128xf32, #tpu.memory_space<vmem_shared>> -> memref<624x128xf32, #tpu.memory_space<vmem_shared>>
        tpu.enqueue_dma source(%dma_start3A_130 : memref<624x128xf32, #tpu.memory_space<vmem_shared>>) target(%dma_start3A_128 : memref<624x128xf32, #tpu.memory_space<hbm>>) target_semaphore(%run_scoped3A : memref<!tpu.dma_semaphore, #tpu.memory_space<semaphore_mem>>)
        %dma_wait3A_131 = arith.constant 0 : i32
        %dma_wait3A_132 = tpu.memref_slice %arg5[%arg0, %mul3A_125, %dma_wait3A_131] : memref<2x10000x128xf32, #tpu.memory_space<hbm>> -> memref<1x624x128xf32, #tpu.memory_space<hbm>>
        %dma_wait3A_133 = tpu.memref_squeeze %dma_wait3A_132 : memref<1x624x128xf32, #tpu.memory_space<hbm>> -> memref<624x128xf32, #tpu.memory_space<hbm>>
        %dma_wait3A_134 = arith.constant 0 : i32
        %dma_wait3A_135 = tpu.memref_slice %arg27[%mul3A_123, %dma_wait3A_134] : memref<10000x128xf32, #tpu.memory_space<vmem_shared>> -> memref<624x128xf32, #tpu.memory_space<vmem_shared>>
        tpu.wait_dma2 semaphore(%run_scoped3A : memref<!tpu.dma_semaphore, #tpu.memory_space<semaphore_mem>>) src(%dma_wait3A_135 : memref<624x128xf32, #tpu.memory_space<vmem_shared>>) dst(%dma_wait3A_133 : memref<624x128xf32, #tpu.memory_space<hbm>>)
        tpu.yield
      }) : () -> ()
    } else {
    }
    %eq3A_117 = arith.constant 15 : i32
    %eq3A_118 = arith.cmpi eq, %arg1, %eq3A_117 : i32
    %convert_element_type3A_119 = arith.extui %eq3A_118 : i1 to i32
    %cond3A_120 = arith.constant 0 : i32
    %cond3A_121 = arith.cmpi ne, %convert_element_type3A_119, %cond3A_120 : i32
    scf.if %cond3A_121 {
      "tpu.region"() ({
        %run_scoped3A = tpu.sem_alloc : memref<!tpu.dma_semaphore, #tpu.memory_space<semaphore_mem>>
        %dma_start3A_122 = arith.constant 9360 : i32
        %dma_start3A_123 = arith.constant 0 : i32
        %dma_start3A_124 = tpu.memref_slice %arg5[%arg0, %dma_start3A_122, %dma_start3A_123] : memref<2x10000x128xf32, #tpu.memory_space<hbm>> -> memref<1x640x128xf32, #tpu.memory_space<hbm>>
        %dma_start3A_125 = tpu.memref_squeeze %dma_start3A_124 : memref<1x640x128xf32, #tpu.memory_space<hbm>> -> memref<640x128xf32, #tpu.memory_space<hbm>>
        %dma_start3A_126 = arith.constant 9360 : i32
        %dma_start3A_127 = arith.constant 0 : i32
        %dma_start3A_128 = tpu.memref_slice %arg27[%dma_start3A_126, %dma_start3A_127] : memref<10000x128xf32, #tpu.memory_space<vmem_shared>> -> memref<640x128xf32, #tpu.memory_space<vmem_shared>>
        tpu.enqueue_dma source(%dma_start3A_128 : memref<640x128xf32, #tpu.memory_space<vmem_shared>>) target(%dma_start3A_125 : memref<640x128xf32, #tpu.memory_space<hbm>>) target_semaphore(%run_scoped3A : memref<!tpu.dma_semaphore, #tpu.memory_space<semaphore_mem>>)
        %dma_wait3A_129 = arith.constant 9360 : i32
        %dma_wait3A_130 = arith.constant 0 : i32
        %dma_wait3A_131 = tpu.memref_slice %arg5[%arg0, %dma_wait3A_129, %dma_wait3A_130] : memref<2x10000x128xf32, #tpu.memory_space<hbm>> -> memref<1x640x128xf32, #tpu.memory_space<hbm>>
        %dma_wait3A_132 = tpu.memref_squeeze %dma_wait3A_131 : memref<1x640x128xf32, #tpu.memory_space<hbm>> -> memref<640x128xf32, #tpu.memory_space<hbm>>
        %dma_wait3A_133 = arith.constant 9360 : i32
        %dma_wait3A_134 = arith.constant 0 : i32
        %dma_wait3A_135 = tpu.memref_slice %arg27[%dma_wait3A_133, %dma_wait3A_134] : memref<10000x128xf32, #tpu.memory_space<vmem_shared>> -> memref<640x128xf32, #tpu.memory_space<vmem_shared>>
        tpu.wait_dma2 semaphore(%run_scoped3A : memref<!tpu.dma_semaphore, #tpu.memory_space<semaphore_mem>>) src(%dma_wait3A_135 : memref<640x128xf32, #tpu.memory_space<vmem_shared>>) dst(%dma_wait3A_132 : memref<640x128xf32, #tpu.memory_space<hbm>>)
        tpu.yield
      }) : () -> ()
    } else {
    }
    return
  }
}

module attributes {stable_mosaic.version = 14 : i64} {
  func.func @_ci_dense_body(%arg0: memref<10000x128xf32, #tpu.memory_space<vmem>>, %arg1: memref<10000x128xf32, #tpu.memory_space<vmem>>, %arg2: memref<1x128xf32, #tpu.memory_space<vmem>>, %arg3: memref<128x128xf32, #tpu.memory_space<vmem>>, %arg4: memref<1x128xf32, #tpu.memory_space<vmem>>, %arg5: memref<128x128xf32, #tpu.memory_space<vmem>>, %arg6: memref<1x128xf32, #tpu.memory_space<vmem>>, %arg7: memref<1x128xf32, #tpu.memory_space<vmem>>, %arg8: memref<1x128xf32, #tpu.memory_space<vmem>>, %arg9: memref<10000x128xf32, #tpu.memory_space<vmem>>) attributes {dimension_semantics = [], scalar_prefetch = 0 : i64, scratch_operands = 0 : i64, tpu.core_type = #tpu.core_type<tc>} {
    %get3A = arith.constant 0 : index
    %get3A_0 = arith.constant 0 : index
    %get3A_1 = vector.load %arg0[%get3A, %get3A_0] : memref<10000x128xf32, #tpu.memory_space<vmem>>, vector<10000x128xf32>
    %get3A_2 = arith.constant 0 : index
    %get3A_3 = arith.constant 0 : index
    %get3A_4 = vector.load %arg1[%get3A_2, %get3A_3] : memref<10000x128xf32, #tpu.memory_space<vmem>>, vector<10000x128xf32>
    %get3A_5 = arith.constant 0 : index
    %get3A_6 = arith.constant 0 : index
    %get3A_7 = vector.load %arg2[%get3A_5, %get3A_6] : memref<1x128xf32, #tpu.memory_space<vmem>>, vector<1x128xf32>
    %get3A_8 = arith.constant 0 : index
    %get3A_9 = arith.constant 0 : index
    %get3A_10 = vector.load %arg3[%get3A_8, %get3A_9] : memref<128x128xf32, #tpu.memory_space<vmem>>, vector<128x128xf32>
    %get3A_11 = arith.constant 0 : index
    %get3A_12 = arith.constant 0 : index
    %get3A_13 = vector.load %arg4[%get3A_11, %get3A_12] : memref<1x128xf32, #tpu.memory_space<vmem>>, vector<1x128xf32>
    %get3A_14 = arith.constant 0 : index
    %get3A_15 = arith.constant 0 : index
    %get3A_16 = vector.load %arg5[%get3A_14, %get3A_15] : memref<128x128xf32, #tpu.memory_space<vmem>>, vector<128x128xf32>
    %get3A_17 = arith.constant 0 : index
    %get3A_18 = arith.constant 0 : index
    %get3A_19 = vector.load %arg6[%get3A_17, %get3A_18] : memref<1x128xf32, #tpu.memory_space<vmem>>, vector<1x128xf32>
    %get3A_20 = arith.constant 0 : index
    %get3A_21 = arith.constant 0 : index
    %get3A_22 = vector.load %arg7[%get3A_20, %get3A_21] : memref<1x128xf32, #tpu.memory_space<vmem>>, vector<1x128xf32>
    %get3A_23 = arith.constant 0 : index
    %get3A_24 = arith.constant 0 : index
    %get3A_25 = vector.load %arg8[%get3A_23, %get3A_24] : memref<1x128xf32, #tpu.memory_space<vmem>>, vector<1x128xf32>
    %add3A = arith.addf %get3A_1, %get3A_4 : vector<10000x128xf32>
    %dot_general3A = arith.constant dense<0.000000e+00> : vector<10000x128xf32>
    %dot_general3A_26 = tpu.matmul %add3A, %get3A_10, %dot_general3A {dimension_numbers = #tpu.dot_dimension_numbers<[1], [0], [0], [1], [0, 0, 1, 1], [], []>, transpose_lhs_hint = false} : vector<10000x128xf32>, vector<128x128xf32>, vector<10000x128xf32> -> vector<10000x128xf32>
    %add3A_27 = vector.broadcast %get3A_13 : vector<1x128xf32> to vector<10000x128xf32>
    %add3A_28 = arith.addf %dot_general3A_26, %add3A_27 : vector<10000x128xf32>
    %dot_general3A_29 = arith.constant dense<0.000000e+00> : vector<1x128xf32>
    %dot_general3A_30 = tpu.matmul %get3A_7, %get3A_16, %dot_general3A_29 {dimension_numbers = #tpu.dot_dimension_numbers<[1], [0], [0], [1], [0, 0, 1, 1], [], []>, transpose_lhs_hint = false} : vector<1x128xf32>, vector<128x128xf32>, vector<1x128xf32> -> vector<1x128xf32>
    %add3A_31 = arith.addf %dot_general3A_30, %get3A_19 : vector<1x128xf32>
    %mul3A = vector.broadcast %add3A_31 : vector<1x128xf32> to vector<10000x128xf32>
    %mul3A_32 = arith.mulf %add3A_28, %mul3A : vector<10000x128xf32>
    %mul3A_33 = arith.mulf %mul3A_32, %mul3A_32 : vector<10000x128xf32>
    %reduce_sum3A = arith.constant dense<0.000000e+00> : vector<10000xf32>
    %reduce_sum3A_34 = vector.multi_reduction <add>, %mul3A_33, %reduce_sum3A [1] : vector<10000x128xf32> to vector<10000xf32>
    %broadcast_in_dim3A = vector.shape_cast %reduce_sum3A_34 : vector<10000xf32> to vector<10000x1xf32>
    %sqrt3A = math.sqrt %broadcast_in_dim3A : vector<10000x1xf32>
    %max3A = arith.constant 9.99999996E-13 : f32
    %max3A_35 = vector.broadcast %max3A : f32 to vector<10000x1xf32>
    %max3A_36 = arith.maximumf %sqrt3A, %max3A_35 : vector<10000x1xf32>
    %div3A = vector.broadcast %max3A_36 : vector<10000x1xf32> to vector<10000x128xf32>
    %div3A_37 = arith.divf %mul3A_32, %div3A : vector<10000x128xf32>
    %max3A_38 = arith.constant 0.000000e+00 : f32
    %max3A_39 = vector.broadcast %max3A_38 : f32 to vector<10000x128xf32>
    %max3A_40 = arith.maximumf %div3A_37, %max3A_39 : vector<10000x128xf32>
    %reduce_sum3A_41 = arith.constant dense<0.000000e+00> : vector<128xf32>
    %reduce_sum3A_42 = vector.multi_reduction <add>, %max3A_40, %reduce_sum3A_41 [0] : vector<10000x128xf32> to vector<128xf32>
    %broadcast_in_dim3A_43 = vector.shape_cast %reduce_sum3A_42 : vector<128xf32> to vector<1x128xf32>
    %div3A_44 = arith.constant 1.000000e+04 : f32
    %div3A_45 = vector.broadcast %div3A_44 : f32 to vector<1x128xf32>
    %div3A_46 = arith.divf %broadcast_in_dim3A_43, %div3A_45 : vector<1x128xf32>
    %sub3A = vector.broadcast %div3A_46 : vector<1x128xf32> to vector<10000x128xf32>
    %sub3A_47 = arith.subf %max3A_40, %sub3A : vector<10000x128xf32>
    %sub3A_48 = vector.broadcast %div3A_46 : vector<1x128xf32> to vector<10000x128xf32>
    %sub3A_49 = arith.subf %max3A_40, %sub3A_48 : vector<10000x128xf32>
    %mul3A_50 = arith.mulf %sub3A_47, %sub3A_49 : vector<10000x128xf32>
    %reduce_sum3A_51 = arith.constant dense<0.000000e+00> : vector<128xf32>
    %reduce_sum3A_52 = vector.multi_reduction <add>, %mul3A_50, %reduce_sum3A_51 [0] : vector<10000x128xf32> to vector<128xf32>
    %broadcast_in_dim3A_53 = vector.shape_cast %reduce_sum3A_52 : vector<128xf32> to vector<1x128xf32>
    %div3A_54 = arith.constant 1.000000e+04 : f32
    %div3A_55 = vector.broadcast %div3A_54 : f32 to vector<1x128xf32>
    %div3A_56 = arith.divf %broadcast_in_dim3A_53, %div3A_55 : vector<1x128xf32>
    %sub3A_57 = vector.broadcast %div3A_46 : vector<1x128xf32> to vector<10000x128xf32>
    %sub3A_58 = arith.subf %max3A_40, %sub3A_57 : vector<10000x128xf32>
    %add3A_59 = arith.constant 9.99999974E-6 : f32
    %add3A_60 = vector.broadcast %add3A_59 : f32 to vector<1x128xf32>
    %add3A_61 = arith.addf %div3A_56, %add3A_60 : vector<1x128xf32>
    %rsqrt3A = math.rsqrt %add3A_61 : vector<1x128xf32>
    %mul3A_62 = vector.broadcast %rsqrt3A : vector<1x128xf32> to vector<10000x128xf32>
    %mul3A_63 = arith.mulf %sub3A_58, %mul3A_62 : vector<10000x128xf32>
    %mul3A_64 = vector.broadcast %get3A_22 : vector<1x128xf32> to vector<10000x128xf32>
    %mul3A_65 = arith.mulf %mul3A_63, %mul3A_64 : vector<10000x128xf32>
    %add3A_66 = vector.broadcast %get3A_25 : vector<1x128xf32> to vector<10000x128xf32>
    %add3A_67 = arith.addf %mul3A_65, %add3A_66 : vector<10000x128xf32>
    %swap3A = arith.constant 0 : index
    %swap3A_68 = arith.constant 0 : index
    %swap3A_69 = vector.load %arg9[%swap3A, %swap3A_68] : memref<10000x128xf32, #tpu.memory_space<vmem>>, vector<10000x128xf32>
    tpu.vector_store %arg9[%swap3A, %swap3A_68], %add3A_67 {strides = array<i32>} : memref<10000x128xf32, #tpu.memory_space<vmem>>, vector<10000x128xf32>,
    return
  }
}

module attributes {stable_mosaic.version = 14 : i64} {
  func.func @_dense2_head_body(%arg0: memref<10000x128xf32, #tpu.memory_space<vmem>>, %arg1: memref<10000x128xf32, #tpu.memory_space<vmem>>, %arg2: memref<1x128xf32, #tpu.memory_space<vmem>>, %arg3: memref<128x128xf32, #tpu.memory_space<vmem>>, %arg4: memref<1x128xf32, #tpu.memory_space<vmem>>, %arg5: memref<128x128xf32, #tpu.memory_space<vmem>>, %arg6: memref<1x128xf32, #tpu.memory_space<vmem>>, %arg7: memref<1x128xf32, #tpu.memory_space<vmem>>, %arg8: memref<1x128xf32, #tpu.memory_space<vmem>>, %arg9: memref<128x64xf32, #tpu.memory_space<vmem>>, %arg10: memref<1x64xf32, #tpu.memory_space<vmem>>, %arg11: memref<1x64xf32, #tpu.memory_space<vmem>>, %arg12: memref<1x64xf32, #tpu.memory_space<vmem>>, %arg13: memref<64x1xf32, #tpu.memory_space<vmem>>, %arg14: memref<1x1xf32, #tpu.memory_space<vmem>>, %arg15: memref<10000x1xf32, #tpu.memory_space<vmem>>) attributes {dimension_semantics = [], scalar_prefetch = 0 : i64, scratch_operands = 0 : i64, tpu.core_type = #tpu.core_type<tc>} {
    %get3A = arith.constant 0 : index
    %get3A_0 = arith.constant 0 : index
    %get3A_1 = vector.load %arg0[%get3A, %get3A_0] : memref<10000x128xf32, #tpu.memory_space<vmem>>, vector<10000x128xf32>
    %get3A_2 = arith.constant 0 : index
    %get3A_3 = arith.constant 0 : index
    %get3A_4 = vector.load %arg1[%get3A_2, %get3A_3] : memref<10000x128xf32, #tpu.memory_space<vmem>>, vector<10000x128xf32>
    %get3A_5 = arith.constant 0 : index
    %get3A_6 = arith.constant 0 : index
    %get3A_7 = vector.load %arg2[%get3A_5, %get3A_6] : memref<1x128xf32, #tpu.memory_space<vmem>>, vector<1x128xf32>
    %get3A_8 = arith.constant 0 : index
    %get3A_9 = arith.constant 0 : index
    %get3A_10 = vector.load %arg3[%get3A_8, %get3A_9] : memref<128x128xf32, #tpu.memory_space<vmem>>, vector<128x128xf32>
    %get3A_11 = arith.constant 0 : index
    %get3A_12 = arith.constant 0 : index
    %get3A_13 = vector.load %arg4[%get3A_11, %get3A_12] : memref<1x128xf32, #tpu.memory_space<vmem>>, vector<1x128xf32>
    %get3A_14 = arith.constant 0 : index
    %get3A_15 = arith.constant 0 : index
    %get3A_16 = vector.load %arg5[%get3A_14, %get3A_15] : memref<128x128xf32, #tpu.memory_space<vmem>>, vector<128x128xf32>
    %get3A_17 = arith.constant 0 : index
    %get3A_18 = arith.constant 0 : index
    %get3A_19 = vector.load %arg6[%get3A_17, %get3A_18] : memref<1x128xf32, #tpu.memory_space<vmem>>, vector<1x128xf32>
    %get3A_20 = arith.constant 0 : index
    %get3A_21 = arith.constant 0 : index
    %get3A_22 = vector.load %arg7[%get3A_20, %get3A_21] : memref<1x128xf32, #tpu.memory_space<vmem>>, vector<1x128xf32>
    %get3A_23 = arith.constant 0 : index
    %get3A_24 = arith.constant 0 : index
    %get3A_25 = vector.load %arg8[%get3A_23, %get3A_24] : memref<1x128xf32, #tpu.memory_space<vmem>>, vector<1x128xf32>
    %add3A = arith.addf %get3A_1, %get3A_4 : vector<10000x128xf32>
    %dot_general3A = arith.constant dense<0.000000e+00> : vector<10000x128xf32>
    %dot_general3A_26 = tpu.matmul %add3A, %get3A_10, %dot_general3A {dimension_numbers = #tpu.dot_dimension_numbers<[1], [0], [0], [1], [0, 0, 1, 1], [], []>, transpose_lhs_hint = false} : vector<10000x128xf32>, vector<128x128xf32>, vector<10000x128xf32> -> vector<10000x128xf32>
    %add3A_27 = vector.broadcast %get3A_13 : vector<1x128xf32> to vector<10000x128xf32>
    %add3A_28 = arith.addf %dot_general3A_26, %add3A_27 : vector<10000x128xf32>
    %dot_general3A_29 = arith.constant dense<0.000000e+00> : vector<1x128xf32>
    %dot_general3A_30 = tpu.matmul %get3A_7, %get3A_16, %dot_general3A_29 {dimension_numbers = #tpu.dot_dimension_numbers<[1], [0], [0], [1], [0, 0, 1, 1], [], []>, transpose_lhs_hint = false} : vector<1x128xf32>, vector<128x128xf32>, vector<1x128xf32> -> vector<1x128xf32>
    %add3A_31 = arith.addf %dot_general3A_30, %get3A_19 : vector<1x128xf32>
    %mul3A = vector.broadcast %add3A_31 : vector<1x128xf32> to vector<10000x128xf32>
    %mul3A_32 = arith.mulf %add3A_28, %mul3A : vector<10000x128xf32>
    %mul3A_33 = arith.mulf %mul3A_32, %mul3A_32 : vector<10000x128xf32>
    %reduce_sum3A = arith.constant dense<0.000000e+00> : vector<10000xf32>
    %reduce_sum3A_34 = vector.multi_reduction <add>, %mul3A_33, %reduce_sum3A [1] : vector<10000x128xf32> to vector<10000xf32>
    %broadcast_in_dim3A = vector.shape_cast %reduce_sum3A_34 : vector<10000xf32> to vector<10000x1xf32>
    %sqrt3A = math.sqrt %broadcast_in_dim3A : vector<10000x1xf32>
    %max3A = arith.constant 9.99999996E-13 : f32
    %max3A_35 = vector.broadcast %max3A : f32 to vector<10000x1xf32>
    %max3A_36 = arith.maximumf %sqrt3A, %max3A_35 : vector<10000x1xf32>
    %div3A = vector.broadcast %max3A_36 : vector<10000x1xf32> to vector<10000x128xf32>
    %div3A_37 = arith.divf %mul3A_32, %div3A : vector<10000x128xf32>
    %max3A_38 = arith.constant 0.000000e+00 : f32
    %max3A_39 = vector.broadcast %max3A_38 : f32 to vector<10000x128xf32>
    %max3A_40 = arith.maximumf %div3A_37, %max3A_39 : vector<10000x128xf32>
    %reduce_sum3A_41 = arith.constant dense<0.000000e+00> : vector<128xf32>
    %reduce_sum3A_42 = vector.multi_reduction <add>, %max3A_40, %reduce_sum3A_41 [0] : vector<10000x128xf32> to vector<128xf32>
    %broadcast_in_dim3A_43 = vector.shape_cast %reduce_sum3A_42 : vector<128xf32> to vector<1x128xf32>
    %div3A_44 = arith.constant 1.000000e+04 : f32
    %div3A_45 = vector.broadcast %div3A_44 : f32 to vector<1x128xf32>
    %div3A_46 = arith.divf %broadcast_in_dim3A_43, %div3A_45 : vector<1x128xf32>
    %sub3A = vector.broadcast %div3A_46 : vector<1x128xf32> to vector<10000x128xf32>
    %sub3A_47 = arith.subf %max3A_40, %sub3A : vector<10000x128xf32>
    %sub3A_48 = vector.broadcast %div3A_46 : vector<1x128xf32> to vector<10000x128xf32>
    %sub3A_49 = arith.subf %max3A_40, %sub3A_48 : vector<10000x128xf32>
    %mul3A_50 = arith.mulf %sub3A_47, %sub3A_49 : vector<10000x128xf32>
    %reduce_sum3A_51 = arith.constant dense<0.000000e+00> : vector<128xf32>
    %reduce_sum3A_52 = vector.multi_reduction <add>, %mul3A_50, %reduce_sum3A_51 [0] : vector<10000x128xf32> to vector<128xf32>
    %broadcast_in_dim3A_53 = vector.shape_cast %reduce_sum3A_52 : vector<128xf32> to vector<1x128xf32>
    %div3A_54 = arith.constant 1.000000e+04 : f32
    %div3A_55 = vector.broadcast %div3A_54 : f32 to vector<1x128xf32>
    %div3A_56 = arith.divf %broadcast_in_dim3A_53, %div3A_55 : vector<1x128xf32>
    %sub3A_57 = vector.broadcast %div3A_46 : vector<1x128xf32> to vector<10000x128xf32>
    %sub3A_58 = arith.subf %max3A_40, %sub3A_57 : vector<10000x128xf32>
    %add3A_59 = arith.constant 9.99999974E-6 : f32
    %add3A_60 = vector.broadcast %add3A_59 : f32 to vector<1x128xf32>
    %add3A_61 = arith.addf %div3A_56, %add3A_60 : vector<1x128xf32>
    %rsqrt3A = math.rsqrt %add3A_61 : vector<1x128xf32>
    %mul3A_62 = vector.broadcast %rsqrt3A : vector<1x128xf32> to vector<10000x128xf32>
    %mul3A_63 = arith.mulf %sub3A_58, %mul3A_62 : vector<10000x128xf32>
    %mul3A_64 = vector.broadcast %get3A_22 : vector<1x128xf32> to vector<10000x128xf32>
    %mul3A_65 = arith.mulf %mul3A_63, %mul3A_64 : vector<10000x128xf32>
    %add3A_66 = vector.broadcast %get3A_25 : vector<1x128xf32> to vector<10000x128xf32>
    %add3A_67 = arith.addf %mul3A_65, %add3A_66 : vector<10000x128xf32>
    %get3A_68 = arith.constant 0 : index
    %get3A_69 = arith.constant 0 : index
    %get3A_70 = vector.load %arg9[%get3A_68, %get3A_69] : memref<128x64xf32, #tpu.memory_space<vmem>>, vector<128x64xf32>
    %dot_general3A_71 = arith.constant dense<0.000000e+00> : vector<10000x64xf32>
    %dot_general3A_72 = tpu.matmul %add3A_67, %get3A_70, %dot_general3A_71 {dimension_numbers = #tpu.dot_dimension_numbers<[1], [0], [0], [1], [0, 0, 1, 1], [], []>, transpose_lhs_hint = false} : vector<10000x128xf32>, vector<128x64xf32>, vector<10000x64xf32> -> vector<10000x64xf32>
    %get3A_73 = arith.constant 0 : index
    %get3A_74 = arith.constant 0 : index
    %get3A_75 = vector.load %arg10[%get3A_73, %get3A_74] : memref<1x64xf32, #tpu.memory_space<vmem>>, vector<1x64xf32>
    %add3A_76 = vector.broadcast %get3A_75 : vector<1x64xf32> to vector<10000x64xf32>
    %add3A_77 = arith.addf %dot_general3A_72, %add3A_76 : vector<10000x64xf32>
    %max3A_78 = arith.constant 0.000000e+00 : f32
    %max3A_79 = vector.broadcast %max3A_78 : f32 to vector<10000x64xf32>
    %max3A_80 = arith.maximumf %add3A_77, %max3A_79 : vector<10000x64xf32>
    %reduce_sum3A_81 = arith.constant dense<0.000000e+00> : vector<64xf32>
    %reduce_sum3A_82 = vector.multi_reduction <add>, %max3A_80, %reduce_sum3A_81 [0] : vector<10000x64xf32> to vector<64xf32>
    %broadcast_in_dim3A_83 = vector.shape_cast %reduce_sum3A_82 : vector<64xf32> to vector<1x64xf32>
    %div3A_84 = arith.constant 1.000000e+04 : f32
    %div3A_85 = vector.broadcast %div3A_84 : f32 to vector<1x64xf32>
    %div3A_86 = arith.divf %broadcast_in_dim3A_83, %div3A_85 : vector<1x64xf32>
    %sub3A_87 = vector.broadcast %div3A_86 : vector<1x64xf32> to vector<10000x64xf32>
    %sub3A_88 = arith.subf %max3A_80, %sub3A_87 : vector<10000x64xf32>
    %sub3A_89 = vector.broadcast %div3A_86 : vector<1x64xf32> to vector<10000x64xf32>
    %sub3A_90 = arith.subf %max3A_80, %sub3A_89 : vector<10000x64xf32>
    %mul3A_91 = arith.mulf %sub3A_88, %sub3A_90 : vector<10000x64xf32>
    %reduce_sum3A_92 = arith.constant dense<0.000000e+00> : vector<64xf32>
    %reduce_sum3A_93 = vector.multi_reduction <add>, %mul3A_91, %reduce_sum3A_92 [0] : vector<10000x64xf32> to vector<64xf32>
    %broadcast_in_dim3A_94 = vector.shape_cast %reduce_sum3A_93 : vector<64xf32> to vector<1x64xf32>
    %div3A_95 = arith.constant 1.000000e+04 : f32
    %div3A_96 = vector.broadcast %div3A_95 : f32 to vector<1x64xf32>
    %div3A_97 = arith.divf %broadcast_in_dim3A_94, %div3A_96 : vector<1x64xf32>
    %sub3A_98 = vector.broadcast %div3A_86 : vector<1x64xf32> to vector<10000x64xf32>
    %sub3A_99 = arith.subf %max3A_80, %sub3A_98 : vector<10000x64xf32>
    %add3A_100 = arith.constant 9.99999974E-6 : f32
    %add3A_101 = vector.broadcast %add3A_100 : f32 to vector<1x64xf32>
    %add3A_102 = arith.addf %div3A_97, %add3A_101 : vector<1x64xf32>
    %rsqrt3A_103 = math.rsqrt %add3A_102 : vector<1x64xf32>
    %mul3A_104 = vector.broadcast %rsqrt3A_103 : vector<1x64xf32> to vector<10000x64xf32>
    %mul3A_105 = arith.mulf %sub3A_99, %mul3A_104 : vector<10000x64xf32>
    %get3A_106 = arith.constant 0 : index
    %get3A_107 = arith.constant 0 : index
    %get3A_108 = vector.load %arg11[%get3A_106, %get3A_107] : memref<1x64xf32, #tpu.memory_space<vmem>>, vector<1x64xf32>
    %mul3A_109 = vector.broadcast %get3A_108 : vector<1x64xf32> to vector<10000x64xf32>
    %mul3A_110 = arith.mulf %mul3A_105, %mul3A_109 : vector<10000x64xf32>
    %get3A_111 = arith.constant 0 : index
    %get3A_112 = arith.constant 0 : index
    %get3A_113 = vector.load %arg12[%get3A_111, %get3A_112] : memref<1x64xf32, #tpu.memory_space<vmem>>, vector<1x64xf32>
    %add3A_114 = vector.broadcast %get3A_113 : vector<1x64xf32> to vector<10000x64xf32>
    %add3A_115 = arith.addf %mul3A_110, %add3A_114 : vector<10000x64xf32>
    %get3A_116 = arith.constant 0 : index
    %get3A_117 = arith.constant 0 : index
    %get3A_118 = vector.load %arg13[%get3A_116, %get3A_117] : memref<64x1xf32, #tpu.memory_space<vmem>>, vector<64x1xf32>
    %dot_general3A_119 = arith.constant dense<0.000000e+00> : vector<10000x1xf32>
    %dot_general3A_120 = tpu.matmul %add3A_115, %get3A_118, %dot_general3A_119 {dimension_numbers = #tpu.dot_dimension_numbers<[1], [0], [0], [1], [0, 0, 1, 1], [], []>, transpose_lhs_hint = false} : vector<10000x64xf32>, vector<64x1xf32>, vector<10000x1xf32> -> vector<10000x1xf32>
    %get3A_121 = arith.constant 0 : index
    %get3A_122 = arith.constant 0 : index
    %get3A_123 = vector.load %arg14[%get3A_121, %get3A_122] : memref<1x1xf32, #tpu.memory_space<vmem>>, vector<1x1xf32>
    %add3A_124 = vector.broadcast %get3A_123 : vector<1x1xf32> to vector<10000x1xf32>
    %add3A_125 = arith.addf %dot_general3A_120, %add3A_124 : vector<10000x1xf32>
    %max3A_126 = arith.constant 0.000000e+00 : f32
    %max3A_127 = vector.broadcast %max3A_126 : f32 to vector<10000x1xf32>
    %max3A_128 = arith.maximumf %add3A_125, %max3A_127 : vector<10000x1xf32>
    %reduce_max3A = arith.constant dense<0xFF800000> : vector<1xf32>
    %reduce_max3A_129 = vector.multi_reduction <maximumf>, %max3A_128, %reduce_max3A [0] : vector<10000x1xf32> to vector<1xf32>
    %broadcast_in_dim3A_130 = vector.shape_cast %reduce_max3A_129 : vector<1xf32> to vector<1x1xf32>
    %sub3A_131 = vector.broadcast %broadcast_in_dim3A_130 : vector<1x1xf32> to vector<10000x1xf32>
    %sub3A_132 = arith.subf %max3A_128, %sub3A_131 : vector<10000x1xf32>
    %exp3A = math.exp %sub3A_132 : vector<10000x1xf32>
    %reduce_sum3A_133 = arith.constant dense<0.000000e+00> : vector<1xf32>
    %reduce_sum3A_134 = vector.multi_reduction <add>, %exp3A, %reduce_sum3A_133 [0] : vector<10000x1xf32> to vector<1xf32>
    %broadcast_in_dim3A_135 = vector.shape_cast %reduce_sum3A_134 : vector<1xf32> to vector<1x1xf32>
    %div3A_136 = vector.broadcast %broadcast_in_dim3A_135 : vector<1x1xf32> to vector<10000x1xf32>
    %div3A_137 = arith.divf %exp3A, %div3A_136 : vector<10000x1xf32>
    %swap3A = arith.constant 0 : index
    %swap3A_138 = arith.constant 0 : index
    %swap3A_139 = vector.load %arg15[%swap3A, %swap3A_138] : memref<10000x1xf32, #tpu.memory_space<vmem>>, vector<10000x1xf32>
    tpu.vector_store %arg15[%swap3A, %swap3A_138], %div3A_137 {strides = array<i32>} : memref<10000x1xf32, #tpu.memory_space<vmem>>, vector<10000x1xf32>,
    return
  }
}

</mosaic_0001>

<sc_bundles>
// kernel: kernel.6.cloned.1.call-start
scs
__scs_entry_jumppad:
0x0: {  	(pc) =	sbr.rel $0x88, $3  }
0x1: {  	(tag) =	ssettag $0x0;
	lr =	simm.s32 $0x1  }
0x2: {  	[smem:$0x3F8D] =	sst lr;
	_ =	strace $0xD0000000  }
0x3: {  	_ = 	snop  }
0x4: {  	_ = 	snop  }
0x5: {  	_ = 	snop  }
0x6: {  	_ = 	snop  }
0x7: {  	_ = 	snop  }
__scs_overlays_trampoline_lowered:
0x8: {  	[smem:$0x3F9C] =	sst s0  }
0x9: {  	[smem:$0x3F9D] =	sst s1  }
0xa: {  	[smem:$0x3F9E] =	sst s2  }
0xb: {  	[smem:$0x3F9F] =	sst s3  }
0xc: {  	[smem:$0x3FA0] =	sst s4  }
0xd: {  	[smem:$0x3FA1] =	sst s5  }
0xe: {  	[smem:$0x3FA2] =	sst s6  }
0xf: {  	[smem:$0x3FA3] =	sst s7  }
0x10: {  	[smem:$0x3FA4] =	sst s8  }
0x11: {  	[smem:$0x3FA5] =	sst s9;
	s0 =	simm.s32 @!p0 $0x0  }
0x12: {  	s1 =	sld [smem:$0x3F8B];
	s0 =	simm.s32 @p0 $0x1  }
0x13: {  	[smem:$0x3FA6] =	sst s0;
	s0 =	simm.s32 @!p1 $0x0  }
0x14: {  	s2 =	sld [smem:$0x3F8A];
	s0 =	simm.s32 @p1 $0x1  }
0x15: {  	[smem:$0x3FA7] =	sst s0;
	s0 =	simm.s32 @!p2 $0x0  }
0x16: {  	s3 =	sld [smem:$0x3FDB];
	s0 =	simm.s32 @p2 $0x1  }
0x17: {  	s4 =	simm.s32 $0x1BF5;
	[smem:$0x3FA9] =	sst s0  }
0x18: {  	s0 =	sld [smem:$0x3F8C];
	_ =	swait.ge [sflag:s4], $0x0  }
0x19: {  	s7 =	sld [smem:$0x3F8D]  }
0x1a: {  	s8 =	sadd.s32 $0xFFFFE003, lr  }
0x1b: {  	s9 =	sadd.s32 $0xFFFFFEF7, lr;
	s5 =	simm.s32 $0xFFFFFFFF;
	p2 =	slt.u32 s8, $0xFFFFF086  }
0x1c: {  	p1 =	slt.u32 s9, $0xF7A;
	s5 =	simm.s32 @!p2 $0x0  }
0x1d: {  	s5 =	simm.s32 @p1 $0x1;
	p0 =	seq.s32 s7, s2  }
0x1e: {  	s7 =	smul.u32 @!p0 $0xF7A, s2;
	p2 =	seq.s32 @!p0 s5, $0x0  }
0x1f: {  	s9 =	smul.u32 $0xF7A, s1;
	s8 =	simm.s32 @!p0 $0x1BF5;
	p2 =	por !p2, p0  }
0x20: {  	[sflag:s8] =	ssyncset.s32 @!p0 $0xFFFFF086;
	s6 =	sadd.s32 @!p0 s3, s7;
	s7 =	simm.s32 @!p0 $0x108  }
0x21: {  	s3 =	sadd.s32 s3, s9;
	s6 =	sadd.s32 @!p0 $0x88, s6;
	s7 =	simm.s32 @p2 $0x1082  }
0x22: {  	[simem:s7], [sflag:s8] =	dma.local @!p0 [hbm:s6], $0xF7A  }
0x23: {  	s9 =	sor.u32 $0xD0000000, s2;
	s6 =	simm.s32 $0x108;
	_ =	swait.ge @!p0 [sflag:s8], $0x0  }
0x24: {  	s3 =	sadd.s32 $0x88, s3;
	s6 =	simm.s32 @!p1 $0x1082;
	[sflag:s4] =	ssyncset.s32 $0xFFFFF086  }
0x25: {  	[simem:s6], [sflag:s4] =	dma.local [hbm:s3], $0xF7A  }
0x26: {  	[smem:$0x3F8D] =	sst s1;
	(tag) =	ssettag s2;
	_ =	strace s9  }
0x27: {  	s1 =	sld [smem:$0x3F9D]  }
0x28: {  	s2 =	sld [smem:$0x3F9E]  }
0x29: {  	s4 =	sld [smem:$0x3FA0]  }
0x2a: {  	p0 =	seq.s32 s5, $0x0;
	s5 =	sld [smem:$0x3FA1]  }
0x2b: {  	s6 =	sld [smem:$0x3FA2]  }
0x2c: {  	s7 =	sld [smem:$0x3FA3]  }
0x2d: {  	s3 =	simm.s32 $0x108;
	s8 =	sld [smem:$0x3FA4]  }
0x2e: {  	s3 =	simm.s32 @!p0 $0x1082;
	s9 =	sld [smem:$0x3FA5]  }
0x2f: {  	lr =	sadd.s32 s0, s3;
	s0 =	sld [smem:$0x3F9C]  }
0x30: {  	s3 =	sld [smem:$0x3F9F]  }
0x31: {  	[smem:$0x3FA8] =	sst s10  }
0x32: {  	s10 =	sld [smem:$0x3FA6];
	_ =	sdelay $0x3  }
0x33: {  	p0 =	seq.s32 s10, $0x1;
	s10 =	sld [smem:$0x3FA8];
	_ =	sdelay $0x3  }
0x34: {  	[smem:$0x3FA8] =	sst s10  }
0x35: {  	s10 =	sld [smem:$0x3FA7];
	_ =	sdelay $0x3  }
0x36: {  	p1 =	seq.s32 s10, $0x1;
	s10 =	sld [smem:$0x3FA8];
	_ =	sdelay $0x3  }
0x37: {  	[smem:$0x3FA8] =	sst s10  }
0x38: {  	s10 =	sld [smem:$0x3FA9]  }
0x39: {  	_ = 	snop;
	(pc) =	sbr.ind lr, $3  }
0x3a: {  	_ = 	snop  }
0x3b: {  	_ = 	snop  }
0x3c: {  	p2 =	seq.s32 s10, $0x1;
	s10 =	sld [smem:$0x3FA8]  }
0x3d: {  	_ =	shalt  }
0x3e: {  	_ =	shalt  }
0x3f: {  	_ =	shalt  }
0x40: {  	_ =	shalt  }
0x41: {  	_ =	shalt  }
0x42: {  	_ =	shalt  }
0x43: {  	_ =	shalt  }
0x44: {  	_ =	shalt  }
0x45: {  	_ =	shalt  }
0x46: {  	_ =	shalt  }
0x47: {  	_ =	shalt  }
0x48: {  	_ =	shalt  }
0x49: {  	_ =	shalt  }
0x4a: {  	_ =	shalt  }
0x4b: {  	_ =	shalt  }
0x4c: {  	_ =	shalt  }
0x4d: {  	_ =	shalt  }
0x4e: {  	_ =	shalt  }
0x4f: {  	_ =	shalt  }
0x50: {  	_ =	shalt  }
0x51: {  	_ =	shalt  }
0x52: {  	_ =	shalt  }
0x53: {  	_ =	shalt  }
0x54: {  	_ =	shalt  }
0x55: {  	_ =	shalt  }
0x56: {  	_ =	shalt  }
0x57: {  	_ =	shalt  }
0x58: {  	_ =	shalt  }
0x59: {  	_ =	shalt  }
0x5a: {  	_ =	shalt  }
0x5b: {  	_ =	shalt  }
0x5c: {  	_ =	shalt  }
0x5d: {  	_ =	shalt  }
0x5e: {  	_ =	shalt  }
0x5f: {  	_ =	shalt  }
0x60: {  	_ =	shalt  }
0x61: {  	_ =	shalt  }
0x62: {  	_ =	shalt  }
0x63: {  	_ =	shalt  }
0x64: {  	_ =	shalt  }
0x65: {  	_ =	shalt  }
0x66: {  	_ =	shalt  }
0x67: {  	_ =	shalt  }
0x68: {  	_ =	shalt  }
0x69: {  	_ =	shalt  }
0x6a: {  	_ =	shalt  }
0x6b: {  	_ =	shalt  }
0x6c: {  	_ =	shalt  }
0x6d: {  	_ =	shalt  }
0x6e: {  	_ =	shalt  }
0x6f: {  	_ =	shalt  }
0x70: {  	_ =	shalt  }
0x71: {  	_ =	shalt  }
0x72: {  	_ =	shalt  }
0x73: {  	_ =	shalt  }
0x74: {  	_ =	shalt  }
0x75: {  	_ =	shalt  }
0x76: {  	_ =	shalt  }
0x77: {  	_ =	shalt  }
0x78: {  	_ =	shalt  }
0x79: {  	_ =	shalt  }
0x7a: {  	_ =	shalt  }
0x7b: {  	_ =	shalt  }
0x7c: {  	_ =	shalt  }
0x7d: {  	_ =	shalt  }
0x7e: {  	_ =	shalt  }
0x7f: {  	_ =	shalt  }
0x80: {  	_ =	shalt  }
0x81: {  	_ =	shalt  }
0x82: {  	_ =	shalt  }
0x83: {  	_ =	shalt  }
0x84: {  	_ =	shalt  }
0x85: {  	_ =	shalt  }
0x86: {  	_ =	shalt  }
0x87: {  	_ =	shalt  }
.Lfunc_end0:
.L_simem_size_0:
called_computation_lowered:
.L_overlay_start_0:
0x88: {  	s2 =	sld [smem:$0x3FD9]  }
0x89: {  	s3 =	sld [smem:$0x3FFE];
	_ =	sdelay $0x1  }
0x8a: {  	s1 =	srdreg.scid  }
0x8b: {  	s0 =	sand.u32 $0x1, s1  }
0x8c: {  	s17 =	sshll.u32 s0, $0xA;
	s2 =	sadd.s32 s3, s2  }
0x8d: {  	s2 =	sadd.s32 s2, s17  }
0x8e: {  	[smem:$0x3FB4] =	sst s2  }
0x8f: {  	_ = 	snop  }
0x90: {  	s2 =	sld [smem:$0x3FC9];
	(tm) =	ssettm $0x1  }
0x91: {  	s18 =	sld [smem:$0x3FFB];
	_ =	sdelay $0x3  }
0x92: {  	_ =	strace s18  }
0x93: {  	s3 =	sld [smem:$0x3FFC];
	_ =	sdelay $0x3  }
0x94: {  	_ =	strace s3  }
0x95: {  	s3 =	sld [smem:$0x3FFD];
	_ =	sdelay $0x3  }
0x96: {  	_ =	strace s3  }
0x97: {  	_ =	strace $0x8FFFFFFF  }
0x98: {  	s19 =	sld [smem:$0x3FDB];
	_ =	sdelay $0x1  }
0x99: {  	s4 =	simm.s32 $_scs_section_size  }
0x9a: {  	s5 =	simm.s32 $_size__tile_overlayer_lowered;
	s6 =	simm.s32 $_tile_overlayer_lowered  }
0x9b: {  	s22 =	simm.s32 $0x1BFF;
	s21 =	sshll.u32 s6, $0x1;
	s3 =	sadd.s32 s4, s19  }
0x9c: {  	s7 =	simm.s32 $0x0;
	s20 =	sshll.u32 s5, $0x1;
	s5 =	sadd.s32 s21, s3  }
0x9d: {  	[timem:s7], [sflag:s22] =	dma.local [hbm:s5], s20  }
0x9e: {  	_ =	swait.ge [sflag:s22], s20  }
0x9f: {  	s4 =	ssub.s32 $0x0, s20;
	[sflag:s22] =	ssyncset.done $0x0  }
0xa0: {  	[sflag:s22] =	ssyncadd.s32 s4;
	_ =	sdelay $0x1  }
0xa1: {  	s23 =	simm.s32 $0x1B8B  }
0xa2: {  	_ =	swait.ge [sflag:s23], $0x1  }
0xa3: {  	[sflag:s23] =	ssyncset.done $0x0  }
0xa4: {  	s25 =	simm.s32 $0x1B8E;
	s24 =	sld [smem:$0x3FFE];
	[sflag:s23] =	ssyncadd.s32 $0xFFFFFFFF  }
0xa5: {  	s26 =	simm.s32 $execute0_lowered;
	[smem:$0x3FD2] =	sst s25  }
0xa6: {  	s5 =	sshll.u32 s26, $0x1;
	_ =	strace $0x80000046;
	[dreg:$0x1] =	wrdreg $0xFFFFFFFF  }
0xa7: {  	s28 =	simm.s32 $_size_execute0_lowered;
	s3 =	sadd.s32 s3, s5;
	[dreg:$0x0] =	wrdreg $0x0  }
0xa8: {  	s5 =	sshll.u32 s28, $0x1;
	[dreg:$0x2] =	wrdreg s3  }
0xa9: {  	[dreg:$0x3] =	wrdreg s5  }
0xaa: {  	[dreg:$0x4] =	wrdreg $0xC0  }
0xab: {  	_ =	task [dreg:s7], $0x5FFFF  }
0xac: {  	[dreg:$0x1] =	wrdreg $0xFFFFFFFF  }
0xad: {  	[dreg:$0x0] =	wrdreg $0x60  }
0xae: {  	[dreg:$0x2] =	wrdreg s2  }
0xaf: {  	[dreg:$0x3] =	wrdreg s24  }
0xb0: {  	[dreg:$0x4] =	wrdreg $0xB2000  }
0xb1: {  	[dreg:$0x5] =	wrdreg $0x9  }
0xb2: {  	_ =	task.clear_ibuf [dreg:s7], $0x6FFFF;
	_ =	strace $0x90000046  }
0xb3: {  	s29 =	simm.s32 $0x9;
	_ =	strace $0x80000048  }
0xb4: {  	_ =	swait.ge [sflag:s29], $0x1  }
0xb5: {  	[sflag:s29] =	ssyncadd.s32 $0xFFFFFFFF  }
0xb6: {  	_ =	strace $0x90000048  }
0xb7: {  	_ =	sfence  }
0xb8: {  	s30 =	sld [smem:$0x0];
	_ =	sdelay $0x2  }
0xb9: {  	s31 =	sshll.u32 s1, $0xD;
	s1 =	sshrl.u32 s1, $0x2  }
0xba: {  	s3 =	sand.u32 $0x4000, s31;
	s1 =	sadd.s32 s1, s30  }
0xbb: {  	s0 =	sor.u32 s3, s0;
	s1 =	sshll.u32 s1, $0x11  }
0xbc: {  	s0 =	sor.u32 s1, s0  }
0xbd: {  	s0 =	sadd.s32 $0x8F2B, s0  }
0xbe: {  	[sflag:s0] =	ssyncadd.remote.s32 $0x1  }
0xbf: {  	_ =	sfence.sel $0xFFFF  }
0xc0: {  	[dreg:$0x0] =	wrdreg $0xFFFFFFFF;
	(pc) =	sbr.abs _section_cstart, $3  }
0xc1: {  	[dreg:$0x1] =	wrdreg $0xFFFFFFFF  }
0xc2: {  	_ =	task.clear_ibuf [dreg:s7], $0x2FFFF;
	_ =	strace $0x9FFFFFFF  }
0xc3: {  	(tm) =	ssettm $0x7FFFFFFF  }
tec
execute0_lowered:
.L_overlay_start_1:
0x0: {  	(tag) =	ssettag $0x1  }
0x1: {  	s1 =	rddreg [dreg:$0x0]  }
0x2: {  	s0 =	rddreg [dreg:$0x1]  }
0x3: {  	s2 =	rddreg [dreg:$0x2];
	s3 =	srdreg.scid  }
0x4: {  	s4 =	simm.s32 $0x0;
	s11 =	stileid.u32;
	s28 =	simm.s32 $0x2900  }
0x5: {  	s29 =	simm.s32 $0x2780;
	s30 =	simm.s32 $0x4900;
	s31 =	simm.s32 $0x2800  }
0x6: {  	s3 =	sand.u32 $0x1, s3;
	[smem:$0x7FF] =	sst s4;
	s8 =	smul.u32 $0x4E000, s11  }
0x7: {  	s6 =	sadd.s32 $0x3000, s0;
	s7 =	sadd.s32 $0x16A00, s0;
	s26 =	smul.u32 $0x13800, s11  }
0x8: {  	s0 =	sadd.s32 $0x19200, s0;
	s16 =	smul.u32 $0x2710, s11;
	s17 =	sadd.s32 $0x124800, s2  }
0x9: {  	p0 =	seq.s32 s11, $0xF;
	s5 =	sshll.u32 s3, $0x4;
	_ =	strace $0x80000047  }
0xa: {  	[dreg:$0x4] =	wrdreg s7;
	s23 =	ssub.s32 $0x2, s3;
	s24 =	smul.u32 $0x138800, s3  }
0xb: {  	s3 =	smul.u32 $0x27100, s3;
	[dreg:$0xd] =	wrdreg s17;
	s17 =	simm.s32 $0x4  }
0xc: {  	s5 =	sor.u32 s11, s5;
	s9 =	sshrl.u32 s23, $0x1;
	s8 =	sshrl.u32 s8, $0x2  }
0xd: {  	s11 =	simm.s32 $0x1;
	s5 =	smul.u32 $0x2710, s5;
	s7 =	ssub.s32 s23, s9  }
0xe: {  	s8 =	sadd.s32 s8, s2;
	s18 =	sadd.s32 s26, s24;
	s3 =	sadd.s32 s16, s3  }
0xf: {  	s9 =	simm.s32 $0xA980;
	s16 =	simm.s32 $0x8;
	[dreg:$0xc] =	wrdreg s8  }
0x10: {  	s8 =	sshrl.u32 s18, $0x3;
	s19 =	sadd.s32 $0x4E380, s3;
	s21 =	smax.u32 s7, $0x1  }
0x11: {  	s23 =	sadd.s32 $0x4E340, s3;
	s7 =	simm.s32 $0x8900;
	s18 =	simm.s32 $0x10  }
0x12: {  	s5 =	sshrl.u32 s5, $0x3;
	s8 =	sadd.s32 s0, s8;
	[dreg:$0x10] =	wrdreg s21  }
0x13: {  	s20 =	sshrl.u32 s19, $0x3;
	s12 =	sadd.s32 s6, s5;
	[dreg:$0xe] =	wrdreg s8  }
0x14: {  	s19 =	simm.s32 $0xAA00;
	s22 =	sadd.s32 s20, s6;
	[dreg:$0x5] =	wrdreg s12  }
0x15: {  	s5 =	sshrl.u32 s24, $0x3;
	s25 =	sadd.s32 $0x4E0, s12;
	[dreg:$0x11] =	wrdreg s22  }
0x16: {  	s24 =	sadd.s32 $0x4E300, s3;
	s10 =	sadd.s32 $0xA120, s12;
	[dreg:$0x6] =	wrdreg s25  }
0x17: {  	s3 =	sadd.s32 $0x4E3C0, s3;
	s14 =	sadd.s32 $0x9C40, s12;
	[dreg:$0x7] =	wrdreg s10  }
0x18: {  	s15 =	sadd.s32 $0x9C48, s12;
	s13 =	sadd.s32 $0x9C50, s12;
	[dreg:$0x8] =	wrdreg s14  }
0x19: {  	s12 =	sadd.s32 $0x9C58, s12;
	s0 =	sadd.s32 s0, s5;
	[dreg:$0x9] =	wrdreg s15  }
0x1a: {  	s5 =	sshrl.u32 s24, $0x3;
	s3 =	sshrl.u32 s3, $0x3;
	[dreg:$0xa] =	wrdreg s13  }
0x1b: {  	s22 =	simm.s32 $0xA;
	s24 =	simm.s32 $0x0;
	[dreg:$0xb] =	wrdreg s12  }
0x1c: {  	s0 =	sadd.s32 $0x24900, s0;
	s25 =	sadd.s32 s5, s6;
	s26 =	sadd.s32 s3, s6  }
0x1d: {  	s3 =	simm.s32 $0x6900;
	s10 =	simm.s32 $0x5;
	s12 =	simm.s32 $0x6  }
0x1e: {  	s13 =	simm.s32 $0x2;
	s14 =	simm.s32 $0x7;
	[dreg:$0xf] =	wrdreg s0  }
0x1f: {  	s15 =	simm.s32 $0x3;
	s0 =	sshrl.u32 s23, $0x3;
	[dreg:$0x13] =	wrdreg s25  }
0x20: {  	[dreg:$0x14] =	wrdreg s26;
	s25 =	simm.s32 $0x2700;
	s0 =	sadd.s32 s0, s6  }
0x21: {  	s26 =	simm.s32 $0x40;
	[dreg:$0x12] =	wrdreg s0;
	s0 =	simm.s32 $0x2880  }
.LBB2_1:
0x22: {  	s5 =	rddreg [dreg:$0x5]  }
0x23: {  	[tilespmem:s4], [sflag:$0xA] =	stream.linear.gather [hbm4b:s5+s4], $0x2700, $0x38;
	[tilespmem:$0x1EA80] =	vst v63  }
0x24: {  	_ =	swait.ge [sflag:s22], $0x2700  }
0x25: {  	[sflag:s22] =	ssyncset.done $0x0  }
0x26: {  	s6 =	simm.s32 $0xA900;
	s21 =	rddreg [dreg:$0x6];
	[sflag:s22] =	ssyncadd.s32 $0xFFFFD900  }
0x27: {  	[tilespmem:s6], [sflag:$0xA] =	stream.linear.gather [hbm4b:s21+s4], $0x10, $0x38;
	[tilespmem:$0x1EA80] =	vst v63  }
0x28: {  	_ =	swait.ge [sflag:s22], $0x10  }
0x29: {  	[sflag:s22] =	ssyncset.done $0x0  }
0x2a: {  	s23 =	rddreg [dreg:$0x7];
	[sflag:s22] =	ssyncadd.s32 $0xFFFFFFF0  }
0x2b: {  	[tilespmem:s9], [sflag:$0xA] =	stream.linear.gather [hbm4b:s23+s4], $0x10, $0x38;
	[tilespmem:$0x1EA80] =	vst v63  }
0x2c: {  	_ =	swait.ge [sflag:s22], $0x10  }
0x2d: {  	[sflag:s22] =	ssyncset.done $0x0  }
0x2e: {  	s8 =	rddreg [dreg:$0x8];
	[sflag:s22] =	ssyncadd.s32 $0xFFFFFFF0  }
0x2f: {  	[tilespmem:s25], [sflag:$0x5] =	stream.linear.gather [hbm4b:s8+s4], $0x40, $0x38;
	[tilespmem:$0x1EA80] =	vst v63  }
0x30: {  	_ = 	snop  }
0x31: {  	[tilespmem:s28], [sflag:$0x1] =	stream.indirect.gather [hbm4b:s1+s26], $0x80, s4, s26, $0xb8;
	[tilespmem:$0x1EA80] =	vst v63  }
0x32: {  	s9 =	rddreg [dreg:$0x9]  }
0x33: {  	[tilespmem:s29], [sflag:$0x6] =	stream.linear.gather [hbm4b:s9+s4], $0x40, $0x38;
	[tilespmem:$0x1EA80] =	vst v63  }
0x34: {  	_ = 	snop  }
0x35: {  	[tilespmem:s30], [sflag:$0x2] =	stream.indirect.gather [hbm4b:s1+s26], $0x80, s26, s26, $0xb8;
	[tilespmem:$0x1EA80] =	vst v63  }
0x36: {  	s20 =	rddreg [dreg:$0xa]  }
0x37: {  	[tilespmem:s31], [sflag:$0x7] =	stream.linear.gather [hbm4b:s20+s4], $0x40, $0x38;
	[tilespmem:$0x1EA80] =	vst v63  }
0x38: {  	s21 =	simm.s32 $0x80  }
0x39: {  	[tilespmem:s3], [sflag:$0x3] =	stream.indirect.gather [hbm4b:s1+s26], $0x80, s21, s26, $0xb8;
	[tilespmem:$0x1EA80] =	vst v63  }
0x3a: {  	s23 =	rddreg [dreg:$0xb]  }
0x3b: {  	[tilespmem:s0], [sflag:$0x8] =	stream.linear.gather [hbm4b:s23+s4], $0x40, $0x38;
	[tilespmem:$0x1EA80] =	vst v63  }
0x3c: {  	s8 =	simm.s32 $0xC0  }
0x3d: {  	[tilespmem:s7], [sflag:$0x4] =	stream.indirect.gather [hbm4b:s1+s26], $0x80, s8, s26, $0xb8;
	[tilespmem:$0x1EA80] =	vst v63  }
0x3e: {  	s5 =	rddreg [dreg:$0xd]  }
0x3f: {  	[tilespmem:s19], [sflag:$0x9] =	stream.indirect.gather [hbm4b:s1+s18], $0x80, s6, s18, $0xb8;
	[tilespmem:$0x1EA80] =	vst v63  }
0x40: {  	s8 =	rddreg [dreg:$0x4];
	s6 =	sshrl.u32 @p0 s5, $0x3  }
0x41: {  	s5 =	simm.s32 @p0 $0x1FCA;
	[dreg:$0x15] =	wrdreg s6  }
0x42: {  	[spmem:s6], [sflag:s5] =	dma.local @p0 [hbm:s8], $0x2800  }
0x43: {  	s5 =	simm.s32 @p0 $0xA  }
0x44: {  	s6 =	stileid.u32;
	_ =	swait.ge @p0 [sflag:s5], $0x2800  }
0x45: {  	s6 =	sshll.u32 @!p0 s6, $0x6;
	[sflag:s5] =	ssyncset.done @p0 $0x0  }
0x46: {  	s9 =	sor.u32 @!p0 $0x1C0A, s6;
	[sflag:s5] =	ssyncadd.s32 @p0 $0xFFFFD800;
	s5 =	rddreg [dreg:$0xc]  }
0x47: {  	[dreg:$0x16] =	wrdreg s9;
	s6 =	sshrl.u32 @!p0 s5, $0x3;
	s5 =	simm.s32 @!p0 $0xA  }
0x48: {  	[spmem:s6], [sflag:s9] =	dma.local @!p0 [hbm:s8], $0x2700  }
0x49: {  	_ =	swait.ge @!p0 [sflag:s5], $0x2700  }
0x4a: {  	[sflag:s5] =	ssyncset.done @!p0 $0x0  }
0x4b: {  	[sflag:s5] =	ssyncadd.s32 @!p0 $0xFFFFD900  }
0x4c: {  	[bflag:$0x0] =	sbarrier.arrive $0xFFFF  }
0x4d: {  	_ =	swait.ge [sflag:s10], $0x40  }
0x4e: {  	[sflag:s10] =	ssyncset.done $0x0  }
0x4f: {  	[sflag:s10] =	ssyncadd.s32 $0xFFFFFFC0  }
0x50: {  	_ =	swait.ge [sflag:s11], $0x2000  }
0x51: {  	[sflag:s11] =	ssyncset.done $0x0  }
0x52: {  	[sflag:s11] =	ssyncadd.s32 $0xFFFFE000  }
0x53: {  	[spmem:s2] =	stream.indirect.scatter.add.f32 [tilespmem:s28], [sflag:$0xA], $0x80, s25, s26, $0xb8;
	[tilespmem:$0x1EA80] =	vst v63  }
0x54: {  	_ =	swait.ge [sflag:s22], $0x2000  }
0x55: {  	[sflag:s22] =	ssyncset.done $0x0  }
0x56: {  	s8 =	rddreg [dreg:$0x13];
	[sflag:s22] =	ssyncadd.s32 $0xFFFFE000  }
0x57: {  	[tilespmem:s25], [sflag:$0x5] =	stream.linear.gather [hbm4b:s8+s4], $0x40, $0x38;
	[tilespmem:$0x1EA80] =	vst v63  }
0x58: {  	s9 =	simm.s32 $0x100  }
0x59: {  	[tilespmem:s28], [sflag:$0x1] =	stream.indirect.gather [hbm4b:s1+s26], $0x80, s9, s26, $0xb8;
	[tilespmem:$0x1EA80] =	vst v63  }
0x5a: {  	_ =	swait.ge [sflag:s12], $0x40  }
0x5b: {  	[sflag:s12] =	ssyncset.done $0x0  }
0x5c: {  	[sflag:s12] =	ssyncadd.s32 $0xFFFFFFC0  }
0x5d: {  	_ =	swait.ge [sflag:s13], $0x2000  }
0x5e: {  	[sflag:s13] =	ssyncset.done $0x0  }
0x5f: {  	[sflag:s13] =	ssyncadd.s32 $0xFFFFE000  }
0x60: {  	[spmem:s2] =	stream.indirect.scatter.add.f32 [tilespmem:s30], [sflag:$0xA], $0x80, s29, s26, $0xb8;
	[tilespmem:$0x1EA80] =	vst v63  }
0x61: {  	_ =	swait.ge [sflag:s22], $0x2000  }
0x62: {  	[sflag:s22] =	ssyncset.done $0x0  }
0x63: {  	s20 =	rddreg [dreg:$0x12];
	[sflag:s22] =	ssyncadd.s32 $0xFFFFE000  }
0x64: {  	[tilespmem:s29], [sflag:$0x6] =	stream.linear.gather [hbm4b:s20+s4], $0x40, $0x38;
	[tilespmem:$0x1EA80] =	vst v63  }
0x65: {  	s18 =	simm.s32 $0x140  }
0x66: {  	[tilespmem:s30], [sflag:$0x2] =	stream.indirect.gather [hbm4b:s1+s26], $0x80, s18, s26, $0xb8;
	[tilespmem:$0x1EA80] =	vst v63  }
0x67: {  	_ =	swait.ge [sflag:s14], $0x40  }
0x68: {  	[sflag:s14] =	ssyncset.done $0x0  }
0x69: {  	[sflag:s14] =	ssyncadd.s32 $0xFFFFFFC0  }
0x6a: {  	_ =	swait.ge [sflag:s15], $0x2000  }
0x6b: {  	[sflag:s15] =	ssyncset.done $0x0  }
0x6c: {  	[sflag:s15] =	ssyncadd.s32 $0xFFFFE000  }
0x6d: {  	[spmem:s2] =	stream.indirect.scatter.add.f32 [tilespmem:s3], [sflag:$0xA], $0x80, s31, s26, $0xb8;
	[tilespmem:$0x1EA80] =	vst v63  }
0x6e: {  	_ =	swait.ge [sflag:s22], $0x2000  }
0x6f: {  	[sflag:s22] =	ssyncset.done $0x0  }
0x70: {  	s9 =	rddreg [dreg:$0x11];
	[sflag:s22] =	ssyncadd.s32 $0xFFFFE000  }
0x71: {  	[tilespmem:s31], [sflag:$0x7] =	stream.linear.gather [hbm4b:s9+s4], $0x40, $0x38;
	[tilespmem:$0x1EA80] =	vst v63  }
0x72: {  	s19 =	simm.s32 $0x180  }
0x73: {  	[tilespmem:s3], [sflag:$0x3] =	stream.indirect.gather [hbm4b:s1+s26], $0x80, s19, s26, $0xb8;
	[tilespmem:$0x1EA80] =	vst v63  }
0x74: {  	_ =	swait.ge [sflag:s16], $0x40  }
0x75: {  	[sflag:s16] =	ssyncset.done $0x0  }
0x76: {  	[sflag:s16] =	ssyncadd.s32 $0xFFFFFFC0  }
0x77: {  	_ =	swait.ge [sflag:s17], $0x2000  }
0x78: {  	[sflag:s17] =	ssyncset.done $0x0  }
0x79: {  	s23 =	simm.s32 $0x400;
	[sflag:s17] =	ssyncadd.s32 $0xFFFFE000  }
0x7a: {  	[spmem:s2] =	stream.indirect.scatter.add.f32 [tilespmem:s7], [sflag:$0xA], $0x80, s0, s26, $0xb8;
	[tilespmem:$0x1EA80] =	vst v63  }
0x7b: {  	s5 =	sadd.s32 $0x20, s8;
	s8 =	simm.s32 $0x1C0;
	_ =	swait.ge [sflag:s22], $0x2000  }
0x7c: {  	s20 =	sadd.s32 $0x20, s20;
	[sflag:s22] =	ssyncset.done $0x0;
	s21 =	rddreg [dreg:$0x14]  }
0x7d: {  	s19 =	sadd.s32 $0x20, s9;
	[sflag:s22] =	ssyncadd.s32 $0xFFFFE000;
	s18 =	sadd.s32 $0x20, s21  }
0x7e: {  	[tilespmem:s0], [sflag:$0x8] =	stream.linear.gather [hbm4b:s21+s4], $0x40, $0x38;
	[tilespmem:$0x1EA80] =	vst v63  }
.LBB2_2:
0x7f: {  	[tilespmem:s7], [sflag:$0x4] =	stream.indirect.gather [hbm4b:s1+s26], $0x80, s8, s26, $0xb8;
	[tilespmem:$0x1EA80] =	vst v63  }
0x80: {  	s8 =	smov.u32 s23;
	s21 =	smov.u32 s18  }
0x81: {  	p1 =	sne.s32 s23, $0x9400;
	s23 =	sadd.s32 $0x400, s23;
	_ =	swait.ge [sflag:s10], $0x40  }
0x82: {  	[sflag:s10] =	ssyncset.done $0x0  }
0x83: {  	[sflag:s10] =	ssyncadd.s32 $0xFFFFFFC0  }
0x84: {  	_ =	swait.ge [sflag:s11], $0x2000  }
0x85: {  	[sflag:s11] =	ssyncset.done $0x0  }
0x86: {  	[sflag:s11] =	ssyncadd.s32 $0xFFFFE000  }
0x87: {  	[spmem:s2] =	stream.indirect.scatter.add.f32 [tilespmem:s28], [sflag:$0xA], $0x80, s25, s26, $0xb8;
	[tilespmem:$0x1EA80] =	vst v63  }
0x88: {  	_ =	swait.ge [sflag:s22], $0x2000  }
0x89: {  	[sflag:s22] =	ssyncset.done $0x0  }
0x8a: {  	s8 =	sshra.s32 s8, $0x2;
	[sflag:s22] =	ssyncadd.s32 $0xFFFFE000  }
0x8b: {  	[tilespmem:s25], [sflag:$0x5] =	stream.linear.gather [hbm4b:s5+s4], $0x40, $0x38;
	[tilespmem:$0x1EA80] =	vst v63  }
0x8c: {  	s9 =	sadd.s32 $0x100, s8  }
0x8d: {  	[tilespmem:s28], [sflag:$0x1] =	stream.indirect.gather [hbm4b:s1+s26], $0x80, s9, s26, $0xb8;
	[tilespmem:$0x1EA80] =	vst v63  }
0x8e: {  	_ =	swait.ge [sflag:s12], $0x40  }
0x8f: {  	[sflag:s12] =	ssyncset.done $0x0  }
0x90: {  	[sflag:s12] =	ssyncadd.s32 $0xFFFFFFC0  }
0x91: {  	_ =	swait.ge [sflag:s13], $0x2000  }
0x92: {  	[sflag:s13] =	ssyncset.done $0x0  }
0x93: {  	[sflag:s13] =	ssyncadd.s32 $0xFFFFE000  }
0x94: {  	[spmem:s2] =	stream.indirect.scatter.add.f32 [tilespmem:s30], [sflag:$0xA], $0x80, s29, s26, $0xb8;
	[tilespmem:$0x1EA80] =	vst v63  }
0x95: {  	_ =	swait.ge [sflag:s22], $0x2000  }
0x96: {  	[sflag:s22] =	ssyncset.done $0x0  }
0x97: {  	[sflag:s22] =	ssyncadd.s32 $0xFFFFE000  }
0x98: {  	[tilespmem:s29], [sflag:$0x6] =	stream.linear.gather [hbm4b:s20+s4], $0x40, $0x38;
	[tilespmem:$0x1EA80] =	vst v63  }
0x99: {  	s9 =	sadd.s32 $0x140, s8  }
0x9a: {  	[tilespmem:s30], [sflag:$0x2] =	stream.indirect.gather [hbm4b:s1+s26], $0x80, s9, s26, $0xb8;
	[tilespmem:$0x1EA80] =	vst v63  }
0x9b: {  	_ =	swait.ge [sflag:s14], $0x40  }
0x9c: {  	[sflag:s14] =	ssyncset.done $0x0  }
0x9d: {  	[sflag:s14] =	ssyncadd.s32 $0xFFFFFFC0  }
0x9e: {  	_ =	swait.ge [sflag:s15], $0x2000  }
0x9f: {  	[sflag:s15] =	ssyncset.done $0x0  }
0xa0: {  	[sflag:s15] =	ssyncadd.s32 $0xFFFFE000  }
0xa1: {  	[spmem:s2] =	stream.indirect.scatter.add.f32 [tilespmem:s3], [sflag:$0xA], $0x80, s31, s26, $0xb8;
	[tilespmem:$0x1EA80] =	vst v63  }
0xa2: {  	_ =	swait.ge [sflag:s22], $0x2000  }
0xa3: {  	[sflag:s22] =	ssyncset.done $0x0  }
0xa4: {  	[sflag:s22] =	ssyncadd.s32 $0xFFFFE000  }
0xa5: {  	[tilespmem:s31], [sflag:$0x7] =	stream.linear.gather [hbm4b:s19+s4], $0x40, $0x38;
	[tilespmem:$0x1EA80] =	vst v63  }
0xa6: {  	s9 =	sadd.s32 $0x180, s8  }
0xa7: {  	[tilespmem:s3], [sflag:$0x3] =	stream.indirect.gather [hbm4b:s1+s26], $0x80, s9, s26, $0xb8;
	[tilespmem:$0x1EA80] =	vst v63  }
0xa8: {  	_ =	swait.ge [sflag:s16], $0x40  }
0xa9: {  	[sflag:s16] =	ssyncset.done $0x0  }
0xaa: {  	[sflag:s16] =	ssyncadd.s32 $0xFFFFFFC0  }
0xab: {  	_ =	swait.ge [sflag:s17], $0x2000  }
0xac: {  	[sflag:s17] =	ssyncset.done $0x0  }
0xad: {  	[sflag:s17] =	ssyncadd.s32 $0xFFFFE000  }
0xae: {  	[spmem:s2] =	stream.indirect.scatter.add.f32 [tilespmem:s7], [sflag:$0xA], $0x80, s0, s26, $0xb8;
	[tilespmem:$0x1EA80] =	vst v63  }
.Ltmp0:
0xaf: {  	_ =	swait.ge [sflag:s22], $0x2000;
	(pc) =	sbr.rel @p1 .LBB2_2-.Ltmp0, $4  }
0xb0: {  	[sflag:s22] =	ssyncset.done $0x0  }
0xb1: {  	s18 =	sadd.s32 $0x20, s18;
	s5 =	sadd.s32 $0x20, s5;
	[sflag:s22] =	ssyncadd.s32 $0xFFFFE000  }
0xb2: {  	[tilespmem:s0], [sflag:$0x8] =	stream.linear.gather [hbm4b:s21+s4], $0x40, $0x38;
	[tilespmem:$0x1EA80] =	vst v63  }
0xb3: {  	s20 =	sadd.s32 $0x20, s20;
	s8 =	sadd.s32 $0x1C0, s8;
	s19 =	sadd.s32 $0x20, s19  }
0xb4: {  	[tilespmem:s7], [sflag:$0x4] =	stream.indirect.gather [hbm4b:s1+s26], $0x80, s8, s26, $0xb8;
	[tilespmem:$0x1EA80] =	vst v63  }
0xb5: {  	_ =	swait.ge [sflag:s10], $0x40  }
0xb6: {  	[sflag:s10] =	ssyncset.done $0x0  }
0xb7: {  	[sflag:s10] =	ssyncadd.s32 $0xFFFFFFC0  }
0xb8: {  	_ =	swait.ge [sflag:s11], $0x2000  }
0xb9: {  	[sflag:s11] =	ssyncset.done $0x0  }
0xba: {  	[sflag:s11] =	ssyncadd.s32 $0xFFFFE000  }
0xbb: {  	[spmem:s2] =	stream.indirect.scatter.add.f32 [tilespmem:s28], [sflag:$0xA], $0x80, s25, s26, $0xb8;
	[tilespmem:$0x1EA80] =	vst v63  }
0xbc: {  	_ =	swait.ge [sflag:s22], $0x2000  }
0xbd: {  	[sflag:s22] =	ssyncset.done $0x0  }
0xbe: {  	[sflag:s22] =	ssyncadd.s32 $0xFFFFE000  }
0xbf: {  	_ =	swait.ge [sflag:s12], $0x40  }
0xc0: {  	[sflag:s12] =	ssyncset.done $0x0  }
0xc1: {  	[sflag:s12] =	ssyncadd.s32 $0xFFFFFFC0  }
0xc2: {  	_ =	swait.ge [sflag:s13], $0x2000  }
0xc3: {  	[sflag:s13] =	ssyncset.done $0x0  }
0xc4: {  	[sflag:s13] =	ssyncadd.s32 $0xFFFFE000  }
0xc5: {  	[spmem:s2] =	stream.indirect.scatter.add.f32 [tilespmem:s30], [sflag:$0xA], $0x80, s29, s26, $0xb8;
	[tilespmem:$0x1EA80] =	vst v63  }
0xc6: {  	_ =	swait.ge [sflag:s22], $0x2000  }
0xc7: {  	[sflag:s22] =	ssyncset.done $0x0  }
0xc8: {  	[sflag:s22] =	ssyncadd.s32 $0xFFFFE000  }
0xc9: {  	_ =	swait.ge [sflag:s14], $0x40  }
0xca: {  	[sflag:s14] =	ssyncset.done $0x0  }
0xcb: {  	[sflag:s14] =	ssyncadd.s32 $0xFFFFFFC0  }
0xcc: {  	_ =	swait.ge [sflag:s15], $0x2000  }
0xcd: {  	[sflag:s15] =	ssyncset.done $0x0  }
0xce: {  	[sflag:s15] =	ssyncadd.s32 $0xFFFFE000  }
0xcf: {  	[spmem:s2] =	stream.indirect.scatter.add.f32 [tilespmem:s3], [sflag:$0xA], $0x80, s31, s26, $0xb8;
	[tilespmem:$0x1EA80] =	vst v63  }
0xd0: {  	_ =	swait.ge [sflag:s22], $0x2000  }
0xd1: {  	[sflag:s22] =	ssyncset.done $0x0  }
0xd2: {  	[sflag:s22] =	ssyncadd.s32 $0xFFFFE000  }
0xd3: {  	_ =	swait.ge [sflag:s16], $0x40  }
0xd4: {  	[sflag:s16] =	ssyncset.done $0x0  }
0xd5: {  	[sflag:s16] =	ssyncadd.s32 $0xFFFFFFC0  }
0xd6: {  	_ =	swait.ge [sflag:s17], $0x2000  }
0xd7: {  	[sflag:s17] =	ssyncset.done $0x0  }
0xd8: {  	[sflag:s17] =	ssyncadd.s32 $0xFFFFE000  }
0xd9: {  	[spmem:s2] =	stream.indirect.scatter.add.f32 [tilespmem:s7], [sflag:$0xA], $0x80, s0, s26, $0xb8;
	[tilespmem:$0x1EA80] =	vst v63  }
0xda: {  	_ =	swait.ge [sflag:s22], $0x2000  }
0xdb: {  	[sflag:s22] =	ssyncset.done $0x0  }
0xdc: {  	s5 =	simm.s32 $0x9;
	[sflag:s22] =	ssyncadd.s32 $0xFFFFE000  }
0xdd: {  	_ =	swait.ge [sflag:s5], $0x800  }
0xde: {  	s9 =	simm.s32 $0xA980;
	[sflag:s5] =	ssyncset.done $0x0  }
0xdf: {  	s18 =	simm.s32 $0x10;
	s19 =	simm.s32 $0xAA00;
	[sflag:s5] =	ssyncadd.s32 $0xFFFFF800  }
0xe0: {  	[spmem:s2] =	stream.indirect.scatter.add.f32 [tilespmem:s19], [sflag:$0xA], $0x80, s9, s18, $0xb8;
	[tilespmem:$0x1EA80] =	vst v63  }
0xe1: {  	_ =	swait.ge [sflag:s22], $0x800  }
0xe2: {  	[sflag:s22] =	ssyncset.done $0x0  }
0xe3: {  	[sflag:s22] =	ssyncadd.s32 $0xFFFFF800  }
0xe4: {  	[bflag:$0x0] =	sbarrier.arrive $0xFFFF  }
0xe5: {  	s8 =	rddreg [dreg:$0xf]  }
0xe6: {  	s5 =	simm.s32 @p0 $0x1FCA;
	s20 =	rddreg [dreg:$0x15]  }
0xe7: {  	[hbm:s8], [sflag:s5] =	dma.local @p0 [spmem:s20], $0x2800  }
0xe8: {  	s5 =	simm.s32 @p0 $0xA  }
0xe9: {  	_ =	swait.ge @p0 [sflag:s5], $0x2800  }
0xea: {  	[sflag:s5] =	ssyncset.done @p0 $0x0;
	s8 =	rddreg [dreg:$0x16]  }
0xeb: {  	[sflag:s5] =	ssyncadd.s32 @p0 $0xFFFFD800;
	s5 =	rddreg [dreg:$0xe]  }
0xec: {  	[hbm:s5], [sflag:s8] =	dma.local @!p0 [spmem:s6], $0x2700  }
0xed: {  	s5 =	simm.s32 @!p0 $0xA  }
0xee: {  	_ =	swait.ge @!p0 [sflag:s5], $0x2700  }
0xef: {  	s24 =	sadd.s32 $0x1, s24;
	s23 =	rddreg [dreg:$0x10]  }
0xf0: {  	p1 =	sne.s32 s24, s23  }
.Ltmp1:
0xf1: {  	_ = 	snop;
	(pc) =	sbr.rel @p1 .LBB2_1-.Ltmp1, $3  }
0xf2: {  	_ =	sdelay $0x1  }
0xf3: {  	[sflag:s5] =	ssyncset.done @!p0 $0x0  }
0xf4: {  	[sflag:s5] =	ssyncadd.s32 @!p0 $0xFFFFD900  }
0xf5: {  	_ =	sfence.sel $0x180000  }
0xf6: {  	[bflag:$0x0] =	sbarrier.arrive $0xFFFF  }
0xf7: {  	_ =	strace $0x90000047  }
0xf8: {  	s0 =	stileid.u32;
	[bflag:$0x2] =	sbarrier.arrive $0xFFFF  }
0xf9: {  	p0 =	sne.s32 s0, $0x0;
	s0 =	rddreg [dreg:$0x3]  }
0xfa: {  	s0 =	sadd.s32 @!p0 $0x100000, s0  }
0xfb: {  	[sflag:s0] =	ssyncadd.tile.s32 @!p0 $0x1;
	_ =	shalt  }
.Lfunc_end2:
_tile_overlayer_lowered:
.L_overlay_start_2:
0xfc: {  	(tag) =	ssettag $0x2  }
0xfd: {  	s0 =	rddreg [dreg:$0x0];
	s2 =	stileid.u32  }
0xfe: {  	s1 =	rddreg [dreg:$0x1];
	p0 =	sne.s32 s2, $0x0  }
0xff: {  	s3 =	rddreg [dreg:$0x2];
	[bflag:$0x3] =	sbarrier.arrive $0xFFFF;
	s2 =	simm.s32 @!p0 $0x1C0A  }
0x100: {  	[timem:s3], [sflag:s2] =	dma.local @!p0 [hbm:s0], s1  }
0x101: {  	s0 =	simm.s32 @!p0 $0xA  }
0x102: {  	_ =	swait.ge @!p0 [sflag:s0], s1  }
0x103: {  	s1 =	ssub.s32 @!p0 $0x0, s1;
	[sflag:s0] =	ssyncset.done @!p0 $0x0  }
0x104: {  	[sflag:s0] =	ssyncadd.s32 @!p0 s1  }
0x105: {  	[bflag:$0x3] =	sbarrier.arrive $0xFFFF  }
0x106: {  	_ =	shalt  }

// kernel: kernel.9.cloned.1.call-start
scs
__scs_entry_jumppad:
0x0: {  	(pc) =	sbr.rel $0x88, $3  }
0x1: {  	(tag) =	ssettag $0x0;
	lr =	simm.s32 $0x1  }
0x2: {  	[smem:$0x3F8D] =	sst lr;
	_ =	strace $0xD0000000  }
0x3: {  	_ = 	snop  }
0x4: {  	_ = 	snop  }
0x5: {  	_ = 	snop  }
0x6: {  	_ = 	snop  }
0x7: {  	_ = 	snop  }
__scs_overlays_trampoline_lowered:
0x8: {  	[smem:$0x3F9C] =	sst s0  }
0x9: {  	[smem:$0x3F9D] =	sst s1  }
0xa: {  	[smem:$0x3F9E] =	sst s2  }
0xb: {  	[smem:$0x3F9F] =	sst s3  }
0xc: {  	[smem:$0x3FA0] =	sst s4  }
0xd: {  	[smem:$0x3FA1] =	sst s5  }
0xe: {  	[smem:$0x3FA2] =	sst s6  }
0xf: {  	[smem:$0x3FA3] =	sst s7  }
0x10: {  	[smem:$0x3FA4] =	sst s8  }
0x11: {  	[smem:$0x3FA5] =	sst s9;
	s0 =	simm.s32 @!p0 $0x0  }
0x12: {  	s1 =	sld [smem:$0x3F8B];
	s0 =	simm.s32 @p0 $0x1  }
0x13: {  	[smem:$0x3FA6] =	sst s0;
	s0 =	simm.s32 @!p1 $0x0  }
0x14: {  	s2 =	sld [smem:$0x3F8A];
	s0 =	simm.s32 @p1 $0x1  }
0x15: {  	[smem:$0x3FA7] =	sst s0;
	s0 =	simm.s32 @!p2 $0x0  }
0x16: {  	s3 =	sld [smem:$0x3FDB];
	s0 =	simm.s32 @p2 $0x1  }
0x17: {  	s4 =	simm.s32 $0x1BF5;
	[smem:$0x3FA9] =	sst s0  }
0x18: {  	s0 =	sld [smem:$0x3F8C];
	_ =	swait.ge [sflag:s4], $0x0  }
0x19: {  	s7 =	sld [smem:$0x3F8D]  }
0x1a: {  	s8 =	sadd.s32 $0xFFFFE003, lr  }
0x1b: {  	s9 =	sadd.s32 $0xFFFFFEF7, lr;
	s5 =	simm.s32 $0xFFFFFFFF;
	p2 =	slt.u32 s8, $0xFFFFF086  }
0x1c: {  	p1 =	slt.u32 s9, $0xF7A;
	s5 =	simm.s32 @!p2 $0x0  }
0x1d: {  	s5 =	simm.s32 @p1 $0x1;
	p0 =	seq.s32 s7, s2  }
0x1e: {  	s7 =	smul.u32 @!p0 $0xF7A, s2;
	p2 =	seq.s32 @!p0 s5, $0x0  }
0x1f: {  	s9 =	smul.u32 $0xF7A, s1;
	s8 =	simm.s32 @!p0 $0x1BF5;
	p2 =	por !p2, p0  }
0x20: {  	[sflag:s8] =	ssyncset.s32 @!p0 $0xFFFFF086;
	s6 =	sadd.s32 @!p0 s3, s7;
	s7 =	simm.s32 @!p0 $0x108  }
0x21: {  	s3 =	sadd.s32 s3, s9;
	s6 =	sadd.s32 @!p0 $0x88, s6;
	s7 =	simm.s32 @p2 $0x1082  }
0x22: {  	[simem:s7], [sflag:s8] =	dma.local @!p0 [hbm:s6], $0xF7A  }
0x23: {  	s9 =	sor.u32 $0xD0000000, s2;
	s6 =	simm.s32 $0x108;
	_ =	swait.ge @!p0 [sflag:s8], $0x0  }
0x24: {  	s3 =	sadd.s32 $0x88, s3;
	s6 =	simm.s32 @!p1 $0x1082;
	[sflag:s4] =	ssyncset.s32 $0xFFFFF086  }
0x25: {  	[simem:s6], [sflag:s4] =	dma.local [hbm:s3], $0xF7A  }
0x26: {  	[smem:$0x3F8D] =	sst s1;
	(tag) =	ssettag s2;
	_ =	strace s9  }
0x27: {  	s1 =	sld [smem:$0x3F9D]  }
0x28: {  	s2 =	sld [smem:$0x3F9E]  }
0x29: {  	s4 =	sld [smem:$0x3FA0]  }
0x2a: {  	p0 =	seq.s32 s5, $0x0;
	s5 =	sld [smem:$0x3FA1]  }
0x2b: {  	s6 =	sld [smem:$0x3FA2]  }
0x2c: {  	s7 =	sld [smem:$0x3FA3]  }
0x2d: {  	s3 =	simm.s32 $0x108;
	s8 =	sld [smem:$0x3FA4]  }
0x2e: {  	s3 =	simm.s32 @!p0 $0x1082;
	s9 =	sld [smem:$0x3FA5]  }
0x2f: {  	lr =	sadd.s32 s0, s3;
	s0 =	sld [smem:$0x3F9C]  }
0x30: {  	s3 =	sld [smem:$0x3F9F]  }
0x31: {  	[smem:$0x3FA8] =	sst s10  }
0x32: {  	s10 =	sld [smem:$0x3FA6];
	_ =	sdelay $0x3  }
0x33: {  	p0 =	seq.s32 s10, $0x1;
	s10 =	sld [smem:$0x3FA8];
	_ =	sdelay $0x3  }
0x34: {  	[smem:$0x3FA8] =	sst s10  }
0x35: {  	s10 =	sld [smem:$0x3FA7];
	_ =	sdelay $0x3  }
0x36: {  	p1 =	seq.s32 s10, $0x1;
	s10 =	sld [smem:$0x3FA8];
	_ =	sdelay $0x3  }
0x37: {  	[smem:$0x3FA8] =	sst s10  }
0x38: {  	s10 =	sld [smem:$0x3FA9]  }
0x39: {  	_ = 	snop;
	(pc) =	sbr.ind lr, $3  }
0x3a: {  	_ = 	snop  }
0x3b: {  	_ = 	snop  }
0x3c: {  	p2 =	seq.s32 s10, $0x1;
	s10 =	sld [smem:$0x3FA8]  }
0x3d: {  	_ =	shalt  }
0x3e: {  	_ =	shalt  }
0x3f: {  	_ =	shalt  }
0x40: {  	_ =	shalt  }
0x41: {  	_ =	shalt  }
0x42: {  	_ =	shalt  }
0x43: {  	_ =	shalt  }
0x44: {  	_ =	shalt  }
0x45: {  	_ =	shalt  }
0x46: {  	_ =	shalt  }
0x47: {  	_ =	shalt  }
0x48: {  	_ =	shalt  }
0x49: {  	_ =	shalt  }
0x4a: {  	_ =	shalt  }
0x4b: {  	_ =	shalt  }
0x4c: {  	_ =	shalt  }
0x4d: {  	_ =	shalt  }
0x4e: {  	_ =	shalt  }
0x4f: {  	_ =	shalt  }
0x50: {  	_ =	shalt  }
0x51: {  	_ =	shalt  }
0x52: {  	_ =	shalt  }
0x53: {  	_ =	shalt  }
0x54: {  	_ =	shalt  }
0x55: {  	_ =	shalt  }
0x56: {  	_ =	shalt  }
0x57: {  	_ =	shalt  }
0x58: {  	_ =	shalt  }
0x59: {  	_ =	shalt  }
0x5a: {  	_ =	shalt  }
0x5b: {  	_ =	shalt  }
0x5c: {  	_ =	shalt  }
0x5d: {  	_ =	shalt  }
0x5e: {  	_ =	shalt  }
0x5f: {  	_ =	shalt  }
0x60: {  	_ =	shalt  }
0x61: {  	_ =	shalt  }
0x62: {  	_ =	shalt  }
0x63: {  	_ =	shalt  }
0x64: {  	_ =	shalt  }
0x65: {  	_ =	shalt  }
0x66: {  	_ =	shalt  }
0x67: {  	_ =	shalt  }
0x68: {  	_ =	shalt  }
0x69: {  	_ =	shalt  }
0x6a: {  	_ =	shalt  }
0x6b: {  	_ =	shalt  }
0x6c: {  	_ =	shalt  }
0x6d: {  	_ =	shalt  }
0x6e: {  	_ =	shalt  }
0x6f: {  	_ =	shalt  }
0x70: {  	_ =	shalt  }
0x71: {  	_ =	shalt  }
0x72: {  	_ =	shalt  }
0x73: {  	_ =	shalt  }
0x74: {  	_ =	shalt  }
0x75: {  	_ =	shalt  }
0x76: {  	_ =	shalt  }
0x77: {  	_ =	shalt  }
0x78: {  	_ =	shalt  }
0x79: {  	_ =	shalt  }
0x7a: {  	_ =	shalt  }
0x7b: {  	_ =	shalt  }
0x7c: {  	_ =	shalt  }
0x7d: {  	_ =	shalt  }
0x7e: {  	_ =	shalt  }
0x7f: {  	_ =	shalt  }
0x80: {  	_ =	shalt  }
0x81: {  	_ =	shalt  }
0x82: {  	_ =	shalt  }
0x83: {  	_ =	shalt  }
0x84: {  	_ =	shalt  }
0x85: {  	_ =	shalt  }
0x86: {  	_ =	shalt  }
0x87: {  	_ =	shalt  }
.Lfunc_end0:
.L_simem_size_0:
called_computation.1_lowered:
.L_overlay_start_0:
0x88: {  	s2 =	sld [smem:$0x3FD9]  }
0x89: {  	s3 =	sld [smem:$0x3FFE];
	_ =	sdelay $0x1  }
0x8a: {  	s1 =	srdreg.scid  }
0x8b: {  	s0 =	sand.u32 $0x1, s1  }
0x8c: {  	s16 =	sshll.u32 s0, $0xA;
	s2 =	sadd.s32 s3, s2  }
0x8d: {  	s2 =	sadd.s32 s2, s16  }
0x8e: {  	[smem:$0x3FB4] =	sst s2  }
0x8f: {  	_ = 	snop  }
0x90: {  	(tm) =	ssettm $0x1  }
0x91: {  	s17 =	sld [smem:$0x3FFB];
	_ =	sdelay $0x3  }
0x92: {  	_ =	strace s17  }
0x93: {  	s2 =	sld [smem:$0x3FFC];
	_ =	sdelay $0x3  }
0x94: {  	_ =	strace s2  }
0x95: {  	s2 =	sld [smem:$0x3FFD];
	_ =	sdelay $0x3  }
0x96: {  	_ =	strace s2  }
0x97: {  	_ =	strace $0x8FFFFFFF  }
0x98: {  	s18 =	sld [smem:$0x3FDB];
	_ =	sdelay $0x1  }
0x99: {  	s19 =	simm.s32 $_scs_section_size  }
0x9a: {  	s4 =	simm.s32 $_size__tile_overlayer_lowered;
	s5 =	simm.s32 $_tile_overlayer_lowered  }
0x9b: {  	s22 =	simm.s32 $0x1BFF;
	s21 =	sshll.u32 s5, $0x1;
	s2 =	sadd.s32 s19, s18  }
0x9c: {  	s6 =	simm.s32 $0x0;
	s20 =	sshll.u32 s4, $0x1;
	s4 =	sadd.s32 s21, s2  }
0x9d: {  	[timem:s6], [sflag:s22] =	dma.local [hbm:s4], s20  }
0x9e: {  	_ =	swait.ge [sflag:s22], s20  }
0x9f: {  	s3 =	ssub.s32 $0x0, s20;
	[sflag:s22] =	ssyncset.done $0x0  }
0xa0: {  	[sflag:s22] =	ssyncadd.s32 s3;
	_ =	sdelay $0x1  }
0xa1: {  	s23 =	simm.s32 $0x1B8B  }
0xa2: {  	_ =	swait.ge [sflag:s23], $0x1  }
0xa3: {  	[sflag:s23] =	ssyncset.done $0x0  }
0xa4: {  	s25 =	simm.s32 $0x1B8E;
	s24 =	sld [smem:$0x3FFE];
	[sflag:s23] =	ssyncadd.s32 $0xFFFFFFFF  }
0xa5: {  	s26 =	simm.s32 $execute0_lowered;
	[smem:$0x3FD2] =	sst s25  }
0xa6: {  	s4 =	sshll.u32 s26, $0x1;
	_ =	strace $0x80000049;
	[dreg:$0x1] =	wrdreg $0xFFFFFFFF  }
0xa7: {  	s28 =	simm.s32 $_size_execute0_lowered;
	s2 =	sadd.s32 s2, s4;
	[dreg:$0x0] =	wrdreg $0x0  }
0xa8: {  	s4 =	sshll.u32 s28, $0x1;
	[dreg:$0x2] =	wrdreg s2  }
0xa9: {  	[dreg:$0x3] =	wrdreg s4  }
0xaa: {  	[dreg:$0x4] =	wrdreg $0xC0  }
0xab: {  	_ =	task [dreg:s6], $0x5FFFF  }
0xac: {  	[dreg:$0x1] =	wrdreg $0xFFFFFFFF  }
0xad: {  	[dreg:$0x0] =	wrdreg $0x60  }
0xae: {  	[dreg:$0x2] =	wrdreg s24  }
0xaf: {  	[dreg:$0x3] =	wrdreg $0xB2000  }
0xb0: {  	[dreg:$0x4] =	wrdreg $0x9  }
0xb1: {  	_ =	task.clear_ibuf [dreg:s6], $0x5FFFF;
	_ =	strace $0x90000049  }
0xb2: {  	s29 =	simm.s32 $0x9;
	_ =	strace $0x8000004B  }
0xb3: {  	_ =	swait.ge [sflag:s29], $0x1  }
0xb4: {  	[sflag:s29] =	ssyncadd.s32 $0xFFFFFFFF  }
0xb5: {  	_ =	strace $0x9000004B  }
0xb6: {  	_ =	sfence  }
0xb7: {  	s30 =	sld [smem:$0x0];
	_ =	sdelay $0x2  }
0xb8: {  	s31 =	sshll.u32 s1, $0xD;
	s1 =	sshrl.u32 s1, $0x2  }
0xb9: {  	s3 =	sand.u32 $0x4000, s31;
	s1 =	sadd.s32 s1, s30  }
0xba: {  	s0 =	sor.u32 s3, s0;
	s1 =	sshll.u32 s1, $0x11  }
0xbb: {  	s0 =	sor.u32 s1, s0  }
0xbc: {  	s0 =	sadd.s32 $0x8F2B, s0  }
0xbd: {  	[sflag:s0] =	ssyncadd.remote.s32 $0x1  }
0xbe: {  	_ =	sfence.sel $0xFFFF  }
0xbf: {  	[dreg:$0x0] =	wrdreg $0xFFFFFFFF;
	(pc) =	sbr.abs _section_cstart, $3  }
0xc0: {  	[dreg:$0x1] =	wrdreg $0xFFFFFFFF  }
0xc1: {  	_ =	task.clear_ibuf [dreg:s6], $0x2FFFF;
	_ =	strace $0x9FFFFFFF  }
0xc2: {  	(tm) =	ssettm $0x7FFFFFFF  }
0xc3: {  	_ =	shalt  }
tec
execute0_lowered:
.L_overlay_start_1:
0x0: {  	(tag) =	ssettag $0x1  }
0x1: {  	s0 =	rddreg [dreg:$0x0]  }
0x2: {  	s1 =	rddreg [dreg:$0x1];
	s2 =	srdreg.scid;
	s3 =	simm.s32 $0x0  }
0x3: {  	s11 =	stileid.u32;
	s28 =	simm.s32 $0x2900;
	s29 =	simm.s32 $0x2780  }
0x4: {  	s30 =	simm.s32 $0x4900;
	s31 =	simm.s32 $0x2800;
	s8 =	smul.u32 $0x4E000, s11  }
0x5: {  	s2 =	sand.u32 $0x1, s2;
	[smem:$0x7FF] =	sst s3;
	s26 =	smul.u32 $0x13800, s11  }
0x6: {  	s6 =	sadd.s32 $0x3000, s0;
	s7 =	sadd.s32 $0x16A00, s0;
	s16 =	smul.u32 $0x2710, s11  }
0x7: {  	s17 =	sadd.s32 $0x124800, s1;
	p0 =	seq.s32 s11, $0xF;
	s4 =	sshll.u32 s2, $0x4  }
0x8: {  	_ =	strace $0x8000004A;
	[dreg:$0x3] =	wrdreg s7;
	s24 =	smul.u32 $0x138800, s2  }
0x9: {  	s23 =	ssub.s32 $0x2, s2;
	s2 =	smul.u32 $0x27100, s2;
	[dreg:$0xc] =	wrdreg s17  }
0xa: {  	s17 =	simm.s32 $0x4;
	s5 =	sor.u32 s11, s4;
	s4 =	sadd.s32 $0x19200, s0  }
0xb: {  	s0 =	sadd.s32 $0x40400, s0;
	s9 =	sshrl.u32 s23, $0x1;
	s8 =	sshrl.u32 s8, $0x2  }
0xc: {  	s11 =	simm.s32 $0x1;
	s5 =	smul.u32 $0x2710, s5;
	s7 =	ssub.s32 s23, s9  }
0xd: {  	s8 =	sadd.s32 s8, s1;
	s18 =	sadd.s32 s26, s24;
	s2 =	sadd.s32 s16, s2  }
0xe: {  	s9 =	simm.s32 $0xA980;
	s16 =	simm.s32 $0x8;
	[dreg:$0xb] =	wrdreg s8  }
0xf: {  	s8 =	sshrl.u32 s18, $0x3;
	s19 =	sadd.s32 $0x4E380, s2;
	s21 =	smax.u32 s7, $0x1  }
0x10: {  	s23 =	sadd.s32 $0x4E340, s2;
	s7 =	simm.s32 $0x8900;
	s18 =	simm.s32 $0x10  }
0x11: {  	s5 =	sshrl.u32 s5, $0x3;
	s8 =	sadd.s32 s0, s8;
	[dreg:$0xf] =	wrdreg s21  }
0x12: {  	s20 =	sshrl.u32 s19, $0x3;
	s12 =	sadd.s32 s6, s5;
	[dreg:$0xd] =	wrdreg s8  }
0x13: {  	s19 =	simm.s32 $0xAA00;
	s22 =	sadd.s32 s20, s6;
	[dreg:$0x4] =	wrdreg s12  }
0x14: {  	s5 =	sshrl.u32 s24, $0x3;
	s25 =	sadd.s32 $0x4E0, s12;
	[dreg:$0x10] =	wrdreg s22  }
0x15: {  	s24 =	sadd.s32 $0x4E300, s2;
	s10 =	sadd.s32 $0xA120, s12;
	[dreg:$0x5] =	wrdreg s25  }
0x16: {  	s2 =	sadd.s32 $0x4E3C0, s2;
	s14 =	sadd.s32 $0x9C40, s12;
	[dreg:$0x6] =	wrdreg s10  }
0x17: {  	s15 =	sadd.s32 $0x9C48, s12;
	s13 =	sadd.s32 $0x9C50, s12;
	[dreg:$0x7] =	wrdreg s14  }
0x18: {  	s12 =	sadd.s32 $0x9C58, s12;
	s0 =	sadd.s32 s0, s5;
	[dreg:$0x8] =	wrdreg s15  }
0x19: {  	s5 =	sshrl.u32 s24, $0x3;
	s2 =	sshrl.u32 s2, $0x3;
	[dreg:$0x9] =	wrdreg s13  }
0x1a: {  	s22 =	simm.s32 $0xA;
	s24 =	simm.s32 $0x0;
	[dreg:$0xa] =	wrdreg s12  }
0x1b: {  	s0 =	sadd.s32 $0x24900, s0;
	s25 =	sadd.s32 s5, s6;
	s26 =	sadd.s32 s2, s6  }
0x1c: {  	s2 =	simm.s32 $0x6900;
	s10 =	simm.s32 $0x5;
	s12 =	simm.s32 $0x6  }
0x1d: {  	s13 =	simm.s32 $0x2;
	s14 =	simm.s32 $0x7;
	[dreg:$0xe] =	wrdreg s0  }
0x1e: {  	s15 =	simm.s32 $0x3;
	s0 =	sshrl.u32 s23, $0x3;
	[dreg:$0x12] =	wrdreg s25  }
0x1f: {  	[dreg:$0x13] =	wrdreg s26;
	s25 =	simm.s32 $0x2700;
	s0 =	sadd.s32 s0, s6  }
0x20: {  	s26 =	simm.s32 $0x40;
	[dreg:$0x11] =	wrdreg s0;
	s0 =	simm.s32 $0x2880  }
.LBB2_1:
0x21: {  	s5 =	rddreg [dreg:$0x4]  }
0x22: {  	[tilespmem:s3], [sflag:$0xA] =	stream.linear.gather [hbm4b:s5+s3], $0x2700, $0x38;
	[tilespmem:$0x1EA80] =	vst v63  }
0x23: {  	_ =	swait.ge [sflag:s22], $0x2700  }
0x24: {  	[sflag:s22] =	ssyncset.done $0x0  }
0x25: {  	s6 =	simm.s32 $0xA900;
	s21 =	rddreg [dreg:$0x5];
	[sflag:s22] =	ssyncadd.s32 $0xFFFFD900  }
0x26: {  	[tilespmem:s6], [sflag:$0xA] =	stream.linear.gather [hbm4b:s21+s3], $0x10, $0x38;
	[tilespmem:$0x1EA80] =	vst v63  }
0x27: {  	_ =	swait.ge [sflag:s22], $0x10  }
0x28: {  	[sflag:s22] =	ssyncset.done $0x0  }
0x29: {  	s23 =	rddreg [dreg:$0x6];
	[sflag:s22] =	ssyncadd.s32 $0xFFFFFFF0  }
0x2a: {  	[tilespmem:s9], [sflag:$0xA] =	stream.linear.gather [hbm4b:s23+s3], $0x10, $0x38;
	[tilespmem:$0x1EA80] =	vst v63  }
0x2b: {  	_ =	swait.ge [sflag:s22], $0x10  }
0x2c: {  	[sflag:s22] =	ssyncset.done $0x0  }
0x2d: {  	s8 =	rddreg [dreg:$0x7];
	[sflag:s22] =	ssyncadd.s32 $0xFFFFFFF0  }
0x2e: {  	[tilespmem:s25], [sflag:$0x5] =	stream.linear.gather [hbm4b:s8+s3], $0x40, $0x38;
	[tilespmem:$0x1EA80] =	vst v63  }
0x2f: {  	_ = 	snop  }
0x30: {  	[tilespmem:s28], [sflag:$0x1] =	stream.indirect.gather [hbm4b:s4+s26], $0x80, s3, s26, $0xb8;
	[tilespmem:$0x1EA80] =	vst v63  }
0x31: {  	s9 =	rddreg [dreg:$0x8]  }
0x32: {  	[tilespmem:s29], [sflag:$0x6] =	stream.linear.gather [hbm4b:s9+s3], $0x40, $0x38;
	[tilespmem:$0x1EA80] =	vst v63  }
0x33: {  	_ = 	snop  }
0x34: {  	[tilespmem:s30], [sflag:$0x2] =	stream.indirect.gather [hbm4b:s4+s26], $0x80, s26, s26, $0xb8;
	[tilespmem:$0x1EA80] =	vst v63  }
0x35: {  	s20 =	rddreg [dreg:$0x9]  }
0x36: {  	[tilespmem:s31], [sflag:$0x7] =	stream.linear.gather [hbm4b:s20+s3], $0x40, $0x38;
	[tilespmem:$0x1EA80] =	vst v63  }
0x37: {  	s21 =	simm.s32 $0x80  }
0x38: {  	[tilespmem:s2], [sflag:$0x3] =	stream.indirect.gather [hbm4b:s4+s26], $0x80, s21, s26, $0xb8;
	[tilespmem:$0x1EA80] =	vst v63  }
0x39: {  	s23 =	rddreg [dreg:$0xa]  }
0x3a: {  	[tilespmem:s0], [sflag:$0x8] =	stream.linear.gather [hbm4b:s23+s3], $0x40, $0x38;
	[tilespmem:$0x1EA80] =	vst v63  }
0x3b: {  	s8 =	simm.s32 $0xC0  }
0x3c: {  	[tilespmem:s7], [sflag:$0x4] =	stream.indirect.gather [hbm4b:s4+s26], $0x80, s8, s26, $0xb8;
	[tilespmem:$0x1EA80] =	vst v63  }
0x3d: {  	s5 =	rddreg [dreg:$0xc]  }
0x3e: {  	[tilespmem:s19], [sflag:$0x9] =	stream.indirect.gather [hbm4b:s4+s18], $0x80, s6, s18, $0xb8;
	[tilespmem:$0x1EA80] =	vst v63  }
0x3f: {  	s8 =	rddreg [dreg:$0x3];
	s6 =	sshrl.u32 @p0 s5, $0x3  }
0x40: {  	s5 =	simm.s32 @p0 $0x1FCA;
	[dreg:$0x14] =	wrdreg s6  }
0x41: {  	[spmem:s6], [sflag:s5] =	dma.local @p0 [hbm:s8], $0x2800  }
0x42: {  	s5 =	simm.s32 @p0 $0xA  }
0x43: {  	s6 =	stileid.u32;
	_ =	swait.ge @p0 [sflag:s5], $0x2800  }
0x44: {  	s6 =	sshll.u32 @!p0 s6, $0x6;
	[sflag:s5] =	ssyncset.done @p0 $0x0  }
0x45: {  	s9 =	sor.u32 @!p0 $0x1C0A, s6;
	[sflag:s5] =	ssyncadd.s32 @p0 $0xFFFFD800;
	s5 =	rddreg [dreg:$0xb]  }
0x46: {  	[dreg:$0x15] =	wrdreg s9;
	s6 =	sshrl.u32 @!p0 s5, $0x3;
	s5 =	simm.s32 @!p0 $0xA  }
0x47: {  	[spmem:s6], [sflag:s9] =	dma.local @!p0 [hbm:s8], $0x2700  }
0x48: {  	_ =	swait.ge @!p0 [sflag:s5], $0x2700  }
0x49: {  	[sflag:s5] =	ssyncset.done @!p0 $0x0  }
0x4a: {  	[sflag:s5] =	ssyncadd.s32 @!p0 $0xFFFFD900  }
0x4b: {  	[bflag:$0x0] =	sbarrier.arrive $0xFFFF  }
0x4c: {  	_ =	swait.ge [sflag:s10], $0x40  }
0x4d: {  	[sflag:s10] =	ssyncset.done $0x0  }
0x4e: {  	[sflag:s10] =	ssyncadd.s32 $0xFFFFFFC0  }
0x4f: {  	_ =	swait.ge [sflag:s11], $0x2000  }
0x50: {  	[sflag:s11] =	ssyncset.done $0x0  }
0x51: {  	[sflag:s11] =	ssyncadd.s32 $0xFFFFE000  }
0x52: {  	[spmem:s1] =	stream.indirect.scatter.add.f32 [tilespmem:s28], [sflag:$0xA], $0x80, s25, s26, $0xb8;
	[tilespmem:$0x1EA80] =	vst v63  }
0x53: {  	_ =	swait.ge [sflag:s22], $0x2000  }
0x54: {  	[sflag:s22] =	ssyncset.done $0x0  }
0x55: {  	s8 =	rddreg [dreg:$0x12];
	[sflag:s22] =	ssyncadd.s32 $0xFFFFE000  }
0x56: {  	[tilespmem:s25], [sflag:$0x5] =	stream.linear.gather [hbm4b:s8+s3], $0x40, $0x38;
	[tilespmem:$0x1EA80] =	vst v63  }
0x57: {  	s9 =	simm.s32 $0x100  }
0x58: {  	[tilespmem:s28], [sflag:$0x1] =	stream.indirect.gather [hbm4b:s4+s26], $0x80, s9, s26, $0xb8;
	[tilespmem:$0x1EA80] =	vst v63  }
0x59: {  	_ =	swait.ge [sflag:s12], $0x40  }
0x5a: {  	[sflag:s12] =	ssyncset.done $0x0  }
0x5b: {  	[sflag:s12] =	ssyncadd.s32 $0xFFFFFFC0  }
0x5c: {  	_ =	swait.ge [sflag:s13], $0x2000  }
0x5d: {  	[sflag:s13] =	ssyncset.done $0x0  }
0x5e: {  	[sflag:s13] =	ssyncadd.s32 $0xFFFFE000  }
0x5f: {  	[spmem:s1] =	stream.indirect.scatter.add.f32 [tilespmem:s30], [sflag:$0xA], $0x80, s29, s26, $0xb8;
	[tilespmem:$0x1EA80] =	vst v63  }
0x60: {  	_ =	swait.ge [sflag:s22], $0x2000  }
0x61: {  	[sflag:s22] =	ssyncset.done $0x0  }
0x62: {  	s20 =	rddreg [dreg:$0x11];
	[sflag:s22] =	ssyncadd.s32 $0xFFFFE000  }
0x63: {  	[tilespmem:s29], [sflag:$0x6] =	stream.linear.gather [hbm4b:s20+s3], $0x40, $0x38;
	[tilespmem:$0x1EA80] =	vst v63  }
0x64: {  	s18 =	simm.s32 $0x140  }
0x65: {  	[tilespmem:s30], [sflag:$0x2] =	stream.indirect.gather [hbm4b:s4+s26], $0x80, s18, s26, $0xb8;
	[tilespmem:$0x1EA80] =	vst v63  }
0x66: {  	_ =	swait.ge [sflag:s14], $0x40  }
0x67: {  	[sflag:s14] =	ssyncset.done $0x0  }
0x68: {  	[sflag:s14] =	ssyncadd.s32 $0xFFFFFFC0  }
0x69: {  	_ =	swait.ge [sflag:s15], $0x2000  }
0x6a: {  	[sflag:s15] =	ssyncset.done $0x0  }
0x6b: {  	[sflag:s15] =	ssyncadd.s32 $0xFFFFE000  }
0x6c: {  	[spmem:s1] =	stream.indirect.scatter.add.f32 [tilespmem:s2], [sflag:$0xA], $0x80, s31, s26, $0xb8;
	[tilespmem:$0x1EA80] =	vst v63  }
0x6d: {  	_ =	swait.ge [sflag:s22], $0x2000  }
0x6e: {  	[sflag:s22] =	ssyncset.done $0x0  }
0x6f: {  	s9 =	rddreg [dreg:$0x10];
	[sflag:s22] =	ssyncadd.s32 $0xFFFFE000  }
0x70: {  	[tilespmem:s31], [sflag:$0x7] =	stream.linear.gather [hbm4b:s9+s3], $0x40, $0x38;
	[tilespmem:$0x1EA80] =	vst v63  }
0x71: {  	s19 =	simm.s32 $0x180  }
0x72: {  	[tilespmem:s2], [sflag:$0x3] =	stream.indirect.gather [hbm4b:s4+s26], $0x80, s19, s26, $0xb8;
	[tilespmem:$0x1EA80] =	vst v63  }
0x73: {  	_ =	swait.ge [sflag:s16], $0x40  }
0x74: {  	[sflag:s16] =	ssyncset.done $0x0  }
0x75: {  	[sflag:s16] =	ssyncadd.s32 $0xFFFFFFC0  }
0x76: {  	_ =	swait.ge [sflag:s17], $0x2000  }
0x77: {  	[sflag:s17] =	ssyncset.done $0x0  }
0x78: {  	s23 =	simm.s32 $0x400;
	[sflag:s17] =	ssyncadd.s32 $0xFFFFE000  }
0x79: {  	[spmem:s1] =	stream.indirect.scatter.add.f32 [tilespmem:s7], [sflag:$0xA], $0x80, s0, s26, $0xb8;
	[tilespmem:$0x1EA80] =	vst v63  }
0x7a: {  	s5 =	sadd.s32 $0x20, s8;
	s8 =	simm.s32 $0x1C0;
	_ =	swait.ge [sflag:s22], $0x2000  }
0x7b: {  	s20 =	sadd.s32 $0x20, s20;
	[sflag:s22] =	ssyncset.done $0x0;
	s21 =	rddreg [dreg:$0x13]  }
0x7c: {  	s19 =	sadd.s32 $0x20, s9;
	[sflag:s22] =	ssyncadd.s32 $0xFFFFE000;
	s18 =	sadd.s32 $0x20, s21  }
0x7d: {  	[tilespmem:s0], [sflag:$0x8] =	stream.linear.gather [hbm4b:s21+s3], $0x40, $0x38;
	[tilespmem:$0x1EA80] =	vst v63  }
.LBB2_2:
0x7e: {  	[tilespmem:s7], [sflag:$0x4] =	stream.indirect.gather [hbm4b:s4+s26], $0x80, s8, s26, $0xb8;
	[tilespmem:$0x1EA80] =	vst v63  }
0x7f: {  	s8 =	smov.u32 s23;
	s21 =	smov.u32 s18  }
0x80: {  	p1 =	sne.s32 s23, $0x9400;
	s23 =	sadd.s32 $0x400, s23;
	_ =	swait.ge [sflag:s10], $0x40  }
0x81: {  	[sflag:s10] =	ssyncset.done $0x0  }
0x82: {  	[sflag:s10] =	ssyncadd.s32 $0xFFFFFFC0  }
0x83: {  	_ =	swait.ge [sflag:s11], $0x2000  }
0x84: {  	[sflag:s11] =	ssyncset.done $0x0  }
0x85: {  	[sflag:s11] =	ssyncadd.s32 $0xFFFFE000  }
0x86: {  	[spmem:s1] =	stream.indirect.scatter.add.f32 [tilespmem:s28], [sflag:$0xA], $0x80, s25, s26, $0xb8;
	[tilespmem:$0x1EA80] =	vst v63  }
0x87: {  	_ =	swait.ge [sflag:s22], $0x2000  }
0x88: {  	[sflag:s22] =	ssyncset.done $0x0  }
0x89: {  	s8 =	sshra.s32 s8, $0x2;
	[sflag:s22] =	ssyncadd.s32 $0xFFFFE000  }
0x8a: {  	[tilespmem:s25], [sflag:$0x5] =	stream.linear.gather [hbm4b:s5+s3], $0x40, $0x38;
	[tilespmem:$0x1EA80] =	vst v63  }
0x8b: {  	s9 =	sadd.s32 $0x100, s8  }
0x8c: {  	[tilespmem:s28], [sflag:$0x1] =	stream.indirect.gather [hbm4b:s4+s26], $0x80, s9, s26, $0xb8;
	[tilespmem:$0x1EA80] =	vst v63  }
0x8d: {  	_ =	swait.ge [sflag:s12], $0x40  }
0x8e: {  	[sflag:s12] =	ssyncset.done $0x0  }
0x8f: {  	[sflag:s12] =	ssyncadd.s32 $0xFFFFFFC0  }
0x90: {  	_ =	swait.ge [sflag:s13], $0x2000  }
0x91: {  	[sflag:s13] =	ssyncset.done $0x0  }
0x92: {  	[sflag:s13] =	ssyncadd.s32 $0xFFFFE000  }
0x93: {  	[spmem:s1] =	stream.indirect.scatter.add.f32 [tilespmem:s30], [sflag:$0xA], $0x80, s29, s26, $0xb8;
	[tilespmem:$0x1EA80] =	vst v63  }
0x94: {  	_ =	swait.ge [sflag:s22], $0x2000  }
0x95: {  	[sflag:s22] =	ssyncset.done $0x0  }
0x96: {  	[sflag:s22] =	ssyncadd.s32 $0xFFFFE000  }
0x97: {  	[tilespmem:s29], [sflag:$0x6] =	stream.linear.gather [hbm4b:s20+s3], $0x40, $0x38;
	[tilespmem:$0x1EA80] =	vst v63  }
0x98: {  	s9 =	sadd.s32 $0x140, s8  }
0x99: {  	[tilespmem:s30], [sflag:$0x2] =	stream.indirect.gather [hbm4b:s4+s26], $0x80, s9, s26, $0xb8;
	[tilespmem:$0x1EA80] =	vst v63  }
0x9a: {  	_ =	swait.ge [sflag:s14], $0x40  }
0x9b: {  	[sflag:s14] =	ssyncset.done $0x0  }
0x9c: {  	[sflag:s14] =	ssyncadd.s32 $0xFFFFFFC0  }
0x9d: {  	_ =	swait.ge [sflag:s15], $0x2000  }
0x9e: {  	[sflag:s15] =	ssyncset.done $0x0  }
0x9f: {  	[sflag:s15] =	ssyncadd.s32 $0xFFFFE000  }
0xa0: {  	[spmem:s1] =	stream.indirect.scatter.add.f32 [tilespmem:s2], [sflag:$0xA], $0x80, s31, s26, $0xb8;
	[tilespmem:$0x1EA80] =	vst v63  }
0xa1: {  	_ =	swait.ge [sflag:s22], $0x2000  }
0xa2: {  	[sflag:s22] =	ssyncset.done $0x0  }
0xa3: {  	[sflag:s22] =	ssyncadd.s32 $0xFFFFE000  }
0xa4: {  	[tilespmem:s31], [sflag:$0x7] =	stream.linear.gather [hbm4b:s19+s3], $0x40, $0x38;
	[tilespmem:$0x1EA80] =	vst v63  }
0xa5: {  	s9 =	sadd.s32 $0x180, s8  }
0xa6: {  	[tilespmem:s2], [sflag:$0x3] =	stream.indirect.gather [hbm4b:s4+s26], $0x80, s9, s26, $0xb8;
	[tilespmem:$0x1EA80] =	vst v63  }
0xa7: {  	_ =	swait.ge [sflag:s16], $0x40  }
0xa8: {  	[sflag:s16] =	ssyncset.done $0x0  }
0xa9: {  	[sflag:s16] =	ssyncadd.s32 $0xFFFFFFC0  }
0xaa: {  	_ =	swait.ge [sflag:s17], $0x2000  }
0xab: {  	[sflag:s17] =	ssyncset.done $0x0  }
0xac: {  	[sflag:s17] =	ssyncadd.s32 $0xFFFFE000  }
0xad: {  	[spmem:s1] =	stream.indirect.scatter.add.f32 [tilespmem:s7], [sflag:$0xA], $0x80, s0, s26, $0xb8;
	[tilespmem:$0x1EA80] =	vst v63  }
.Ltmp0:
0xae: {  	_ =	swait.ge [sflag:s22], $0x2000;
	(pc) =	sbr.rel @p1 .LBB2_2-.Ltmp0, $4  }
0xaf: {  	[sflag:s22] =	ssyncset.done $0x0  }
0xb0: {  	s18 =	sadd.s32 $0x20, s18;
	s5 =	sadd.s32 $0x20, s5;
	[sflag:s22] =	ssyncadd.s32 $0xFFFFE000  }
0xb1: {  	[tilespmem:s0], [sflag:$0x8] =	stream.linear.gather [hbm4b:s21+s3], $0x40, $0x38;
	[tilespmem:$0x1EA80] =	vst v63  }
0xb2: {  	s20 =	sadd.s32 $0x20, s20;
	s8 =	sadd.s32 $0x1C0, s8;
	s19 =	sadd.s32 $0x20, s19  }
0xb3: {  	[tilespmem:s7], [sflag:$0x4] =	stream.indirect.gather [hbm4b:s4+s26], $0x80, s8, s26, $0xb8;
	[tilespmem:$0x1EA80] =	vst v63  }
0xb4: {  	_ =	swait.ge [sflag:s10], $0x40  }
0xb5: {  	[sflag:s10] =	ssyncset.done $0x0  }
0xb6: {  	[sflag:s10] =	ssyncadd.s32 $0xFFFFFFC0  }
0xb7: {  	_ =	swait.ge [sflag:s11], $0x2000  }
0xb8: {  	[sflag:s11] =	ssyncset.done $0x0  }
0xb9: {  	[sflag:s11] =	ssyncadd.s32 $0xFFFFE000  }
0xba: {  	[spmem:s1] =	stream.indirect.scatter.add.f32 [tilespmem:s28], [sflag:$0xA], $0x80, s25, s26, $0xb8;
	[tilespmem:$0x1EA80] =	vst v63  }
0xbb: {  	_ =	swait.ge [sflag:s22], $0x2000  }
0xbc: {  	[sflag:s22] =	ssyncset.done $0x0  }
0xbd: {  	[sflag:s22] =	ssyncadd.s32 $0xFFFFE000  }
0xbe: {  	_ =	swait.ge [sflag:s12], $0x40  }
0xbf: {  	[sflag:s12] =	ssyncset.done $0x0  }
0xc0: {  	[sflag:s12] =	ssyncadd.s32 $0xFFFFFFC0  }
0xc1: {  	_ =	swait.ge [sflag:s13], $0x2000  }
0xc2: {  	[sflag:s13] =	ssyncset.done $0x0  }
0xc3: {  	[sflag:s13] =	ssyncadd.s32 $0xFFFFE000  }
0xc4: {  	[spmem:s1] =	stream.indirect.scatter.add.f32 [tilespmem:s30], [sflag:$0xA], $0x80, s29, s26, $0xb8;
	[tilespmem:$0x1EA80] =	vst v63  }
0xc5: {  	_ =	swait.ge [sflag:s22], $0x2000  }
0xc6: {  	[sflag:s22] =	ssyncset.done $0x0  }
0xc7: {  	[sflag:s22] =	ssyncadd.s32 $0xFFFFE000  }
0xc8: {  	_ =	swait.ge [sflag:s14], $0x40  }
0xc9: {  	[sflag:s14] =	ssyncset.done $0x0  }
0xca: {  	[sflag:s14] =	ssyncadd.s32 $0xFFFFFFC0  }
0xcb: {  	_ =	swait.ge [sflag:s15], $0x2000  }
0xcc: {  	[sflag:s15] =	ssyncset.done $0x0  }
0xcd: {  	[sflag:s15] =	ssyncadd.s32 $0xFFFFE000  }
0xce: {  	[spmem:s1] =	stream.indirect.scatter.add.f32 [tilespmem:s2], [sflag:$0xA], $0x80, s31, s26, $0xb8;
	[tilespmem:$0x1EA80] =	vst v63  }
0xcf: {  	_ =	swait.ge [sflag:s22], $0x2000  }
0xd0: {  	[sflag:s22] =	ssyncset.done $0x0  }
0xd1: {  	[sflag:s22] =	ssyncadd.s32 $0xFFFFE000  }
0xd2: {  	_ =	swait.ge [sflag:s16], $0x40  }
0xd3: {  	[sflag:s16] =	ssyncset.done $0x0  }
0xd4: {  	[sflag:s16] =	ssyncadd.s32 $0xFFFFFFC0  }
0xd5: {  	_ =	swait.ge [sflag:s17], $0x2000  }
0xd6: {  	[sflag:s17] =	ssyncset.done $0x0  }
0xd7: {  	[sflag:s17] =	ssyncadd.s32 $0xFFFFE000  }
0xd8: {  	[spmem:s1] =	stream.indirect.scatter.add.f32 [tilespmem:s7], [sflag:$0xA], $0x80, s0, s26, $0xb8;
	[tilespmem:$0x1EA80] =	vst v63  }
0xd9: {  	_ =	swait.ge [sflag:s22], $0x2000  }
0xda: {  	[sflag:s22] =	ssyncset.done $0x0  }
0xdb: {  	s5 =	simm.s32 $0x9;
	[sflag:s22] =	ssyncadd.s32 $0xFFFFE000  }
0xdc: {  	_ =	swait.ge [sflag:s5], $0x800  }
0xdd: {  	s9 =	simm.s32 $0xA980;
	[sflag:s5] =	ssyncset.done $0x0  }
0xde: {  	s18 =	simm.s32 $0x10;
	s19 =	simm.s32 $0xAA00;
	[sflag:s5] =	ssyncadd.s32 $0xFFFFF800  }
0xdf: {  	[spmem:s1] =	stream.indirect.scatter.add.f32 [tilespmem:s19], [sflag:$0xA], $0x80, s9, s18, $0xb8;
	[tilespmem:$0x1EA80] =	vst v63  }
0xe0: {  	_ =	swait.ge [sflag:s22], $0x800  }
0xe1: {  	[sflag:s22] =	ssyncset.done $0x0  }
0xe2: {  	[sflag:s22] =	ssyncadd.s32 $0xFFFFF800  }
0xe3: {  	[bflag:$0x0] =	sbarrier.arrive $0xFFFF  }
0xe4: {  	s8 =	rddreg [dreg:$0xe]  }
0xe5: {  	s5 =	simm.s32 @p0 $0x1FCA;
	s20 =	rddreg [dreg:$0x14]  }
0xe6: {  	[hbm:s8], [sflag:s5] =	dma.local @p0 [spmem:s20], $0x2800  }
0xe7: {  	s5 =	simm.s32 @p0 $0xA  }
0xe8: {  	_ =	swait.ge @p0 [sflag:s5], $0x2800  }
0xe9: {  	[sflag:s5] =	ssyncset.done @p0 $0x0;
	s8 =	rddreg [dreg:$0x15]  }
0xea: {  	[sflag:s5] =	ssyncadd.s32 @p0 $0xFFFFD800;
	s5 =	rddreg [dreg:$0xd]  }
0xeb: {  	[hbm:s5], [sflag:s8] =	dma.local @!p0 [spmem:s6], $0x2700  }
0xec: {  	s5 =	simm.s32 @!p0 $0xA  }
0xed: {  	_ =	swait.ge @!p0 [sflag:s5], $0x2700  }
0xee: {  	s24 =	sadd.s32 $0x1, s24;
	s23 =	rddreg [dreg:$0xf]  }
0xef: {  	p1 =	sne.s32 s24, s23  }
.Ltmp1:
0xf0: {  	_ = 	snop;
	(pc) =	sbr.rel @p1 .LBB2_1-.Ltmp1, $3  }
0xf1: {  	_ =	sdelay $0x1  }
0xf2: {  	[sflag:s5] =	ssyncset.done @!p0 $0x0  }
0xf3: {  	[sflag:s5] =	ssyncadd.s32 @!p0 $0xFFFFD900  }
0xf4: {  	_ =	sfence.sel $0x180000  }
0xf5: {  	[bflag:$0x0] =	sbarrier.arrive $0xFFFF  }
0xf6: {  	_ =	strace $0x9000004A  }
0xf7: {  	s0 =	stileid.u32;
	[bflag:$0x2] =	sbarrier.arrive $0xFFFF  }
0xf8: {  	p0 =	sne.s32 s0, $0x0;
	s0 =	rddreg [dreg:$0x2]  }
0xf9: {  	s0 =	sadd.s32 @!p0 $0x100000, s0  }
0xfa: {  	[sflag:s0] =	ssyncadd.tile.s32 @!p0 $0x1;
	_ =	shalt  }
.Lfunc_end2:
_tile_overlayer_lowered:
.L_overlay_start_2:
0xfb: {  	(tag) =	ssettag $0x2  }
0xfc: {  	s0 =	rddreg [dreg:$0x0];
	s2 =	stileid.u32  }
0xfd: {  	s1 =	rddreg [dreg:$0x1];
	p0 =	sne.s32 s2, $0x0  }
0xfe: {  	s3 =	rddreg [dreg:$0x2];
	[bflag:$0x3] =	sbarrier.arrive $0xFFFF;
	s2 =	simm.s32 @!p0 $0x1C0A  }
0xff: {  	[timem:s3], [sflag:s2] =	dma.local @!p0 [hbm:s0], s1  }
0x100: {  	s0 =	simm.s32 @!p0 $0xA  }
0x101: {  	_ =	swait.ge @!p0 [sflag:s0], s1  }
0x102: {  	s1 =	ssub.s32 @!p0 $0x0, s1;
	[sflag:s0] =	ssyncset.done @!p0 $0x0  }
0x103: {  	[sflag:s0] =	ssyncadd.s32 @!p0 s1  }
0x104: {  	[bflag:$0x3] =	sbarrier.arrive $0xFFFF  }
0x105: {  	_ =	shalt  }

</sc_bundles>
